<compile_context>
chip_gen: v7x
topology: tpu7x:2x2x1
jax: 0.10.2.dev20260603
libtpu: 0.0.44.dev20260713+nightly
codegen_flags: <defaults>
</compile_context>

<pallas_src>
import functools

import jax
import jax.numpy as jnp
from jax import lax
from jax.experimental import pallas as pl
from jax.experimental.pallas import tpu as pltpu
from jax.experimental.pallas import tpu_sc as plsc

EMB = 128
N_NODES = 100000
N_UNARY = 200000
N_BINARY = 200000
N_OUT = N_UNARY + 2 * N_BINARY

NC = 2
NS = 16
NW = NC * NS

CH = 448

KU = 14
KB = 28
U_PAD = KU * NW * CH
B_PAD = KB * NW * CH


def _unary_body(x_ref, w1_ref, b1_ref, w2_ref, b2_ref, o_ref):
    x = x_ref[...]
    h = jnp.maximum(
        jnp.dot(x, w1_ref[...], preferred_element_type=jnp.float32) + b1_ref[...],
        0.0,
    )
    o_ref[...] = x + jnp.dot(h, w2_ref[...], preferred_element_type=jnp.float32) + b2_ref[...]


def _binary_body(f_ref, x_ref, w1_ref, b1_ref, w2_ref, b2_ref, o_ref):
    del f_ref
    x = x_ref[...].reshape(-1, 2 * EMB)
    h = jnp.maximum(
        jnp.dot(x, w1_ref[...], preferred_element_type=jnp.float32) + b1_ref[...],
        0.0,
    )
    y = x + jnp.dot(h, w2_ref[...], preferred_element_type=jnp.float32) + b2_ref[...]
    o_ref[...] = y.reshape(-1, EMB)


def _unary_precompute(x, w1, b1, w2, b2):
    blk = 2000
    return pl.pallas_call(
        _unary_body,
        grid=(N_NODES // blk,),
        in_specs=[
            pl.BlockSpec((blk, EMB), lambda i: (i, 0)),
            pl.BlockSpec((EMB, EMB), lambda i: (0, 0)),
            pl.BlockSpec((1, EMB), lambda i: (0, 0)),
            pl.BlockSpec((EMB, EMB), lambda i: (0, 0)),
            pl.BlockSpec((1, EMB), lambda i: (0, 0)),
        ],
        out_specs=pl.BlockSpec((blk, EMB), lambda i: (i, 0)),
        out_shape=jax.ShapeDtypeStruct((N_NODES, EMB), jnp.float32),
    )(x, w1, b1.reshape(1, EMB), w2, b2.reshape(1, EMB))


def _binary_mlp_into(f, eb, w1, b1, w2, b2):
    blk = 2000
    grid = 2 * N_BINARY // blk
    off = N_UNARY // blk
    return pl.pallas_call(
        _binary_body,
        grid=(grid,),
        in_specs=[
            pl.BlockSpec(memory_space=pl.ANY),
            pl.BlockSpec((blk, EMB), lambda i: (i, 0)),
            pl.BlockSpec((2 * EMB, 2 * EMB), lambda i: (0, 0)),
            pl.BlockSpec((1, 2 * EMB), lambda i: (0, 0)),
            pl.BlockSpec((2 * EMB, 2 * EMB), lambda i: (0, 0)),
            pl.BlockSpec((1, 2 * EMB), lambda i: (0, 0)),
        ],
        out_specs=pl.BlockSpec((blk, EMB), lambda i, off=off: (i + off, 0)),
        out_shape=jax.ShapeDtypeStruct((N_OUT, EMB), jnp.float32),
        input_output_aliases={0: 0},
    )(f, eb, w1, b1.reshape(1, 2 * EMB), w2, b2.reshape(1, 2 * EMB))


def _sc_gather(x, u, idx_u, idx_b):
    mesh = plsc.VectorSubcoreMesh(core_axis_name="c", subcore_axis_name="s")

    @functools.partial(
        pl.kernel,
        mesh=mesh,
        out_type=[
            jax.ShapeDtypeStruct((N_OUT, EMB), jnp.float32),
            jax.ShapeDtypeStruct((B_PAD, EMB), jnp.float32),
        ],
        scratch_types=[
            pltpu.VMEM((CH,), jnp.int32),
            pltpu.VMEM((CH,), jnp.int32),
            pltpu.VMEM((CH, EMB), jnp.float32),
            pltpu.VMEM((CH, EMB), jnp.float32),
            pltpu.SemaphoreType.DMA,
            pltpu.SemaphoreType.DMA,
            pltpu.SemaphoreType.DMA,
            pltpu.SemaphoreType.DMA,
            pltpu.SemaphoreType.DMA,
            pltpu.SemaphoreType.DMA,
        ],
    )
    def k(x_hbm, u_hbm, idxu_hbm, idxb_hbm, f_hbm, eb_hbm,
          idx_v0, idx_v1, rows_v0, rows_v1,
          sem_i0, sem_i1, sem_g0, sem_g1, sem_o0, sem_o1):
        wid = lax.axis_index("s") * NC + lax.axis_index("c")
        bufs = (
            (idx_v0, rows_v0, sem_i0, sem_g0, sem_o0, idx_v1, sem_i1),
            (idx_v1, rows_v1, sem_i1, sem_g1, sem_o1, idx_v0, sem_i0),
        )

        def region(table, idx_hbm, out_hbm, k_per_worker):
            def slot(t, b):
                idxv, rowsv, semi, semg, semo, idxv_n, semi_n = bufs[b]
                tt = jnp.int32(t)

                @pl.when(tt >= 2)
                def _():
                    pltpu.make_async_copy(
                        out_hbm.at[pl.ds(0, CH)], rowsv, semo
                    ).wait()

                pltpu.make_async_copy(
                    idx_hbm.at[pl.ds(0, CH)], idxv, semi
                ).wait()
                gcop = pltpu.async_copy(table.at[idxv], rowsv, semg)

                @pl.when(tt + 1 < k_per_worker)
                def _():
                    nxt = (wid + NW * (tt + 1)) * CH
                    pltpu.async_copy(
                        idx_hbm.at[pl.ds(nxt, CH)], idxv_n, semi_n
                    )

                gcop.wait()
                pltpu.async_copy(
                    rowsv, out_hbm.at[pl.ds((wid + NW * tt) * CH, CH)], semo
                )

            def body(kk, carry):
                slot(2 * kk, 0)
                slot(2 * kk + 1, 1)
                return carry

            pltpu.async_copy(idx_hbm.at[pl.ds(wid * CH, CH)], idx_v0, sem_i0)
            lax.fori_loop(0, k_per_worker // 2, body, 0)
            if k_per_worker % 2:
                slot(k_per_worker - 1, 0)
            pltpu.make_async_copy(out_hbm.at[pl.ds(0, CH)], rows_v0, sem_o0).wait()
            pltpu.make_async_copy(out_hbm.at[pl.ds(0, CH)], rows_v1, sem_o1).wait()

        region(u_hbm, idxu_hbm, f_hbm, KU)
        region(x_hbm, idxb_hbm, eb_hbm, KB)

    return k(x, u, idx_u, idx_b)


def _pad_idx(idx, n_pad):
    return jnp.concatenate(
        [idx.astype(jnp.int32), jnp.zeros((n_pad - idx.shape[0],), jnp.int32)]
    )


def kernel(node_embeddings, rel_unary_indices, rel_binary_indices,
           u_W1, u_b1, u_W2, u_b2, b_W1, b_b1, b_W2, b_b2):
    x = node_embeddings
    u = _unary_precompute(x, u_W1, u_b1, u_W2, u_b2)

    idx_u = _pad_idx(rel_unary_indices, U_PAD)
    idx_b = _pad_idx(rel_binary_indices, B_PAD)

    f, eb = _sc_gather(x, u, idx_u, idx_b)
    out = _binary_mlp_into(f, eb, b_W1, b_b1, b_W2, b_b2)

    output_indices = jnp.concatenate([rel_unary_indices, rel_binary_indices])
    return out, output_indices

# --- scband reference (transcript-rebuilt; emitter-appended) ---
"""Pipeline reference for scband-relation-message-passing-base-3212635537896 (READ-ONLY COPY).

The authoritative reference and input builder live on the scoring server;
editing this copy changes nothing except your own understanding.
"""

import jax, jax.numpy as jnp
import numpy as np

EMB = 128
N_NODES = 100000
N_UNARY_TUPLES = 200000
N_BINARY_TUPLES = 200000


def _mlp(x, W1, b1, W2, b2):
    return jax.nn.relu(x @ W1 + b1) @ W2 + b2


def setup_inputs(seed: int = 0):
    key = jax.random.key(seed)
    ks = jax.random.split(key, 12)
    s = 0.05
    inp = {}
    inp["node_embeddings"] = jax.random.normal(ks[0], (N_NODES, EMB), dtype=jnp.float32)
    inp["rel_unary_indices"] = jax.random.randint(ks[1], (N_UNARY_TUPLES * 1,), 0, N_NODES)
    inp["rel_binary_indices"] = jax.random.randint(ks[2], (N_BINARY_TUPLES * 2,), 0, N_NODES)
    d1 = 1 * EMB
    inp["u_W1"] = jax.random.normal(ks[3], (d1, d1), dtype=jnp.float32) * s
    inp["u_b1"] = jnp.zeros((d1,), dtype=jnp.float32)
    inp["u_W2"] = jax.random.normal(ks[4], (d1, d1), dtype=jnp.float32) * s
    inp["u_b2"] = jnp.zeros((d1,), dtype=jnp.float32)
    d2 = 2 * EMB
    inp["b_W1"] = jax.random.normal(ks[5], (d2, d2), dtype=jnp.float32) * s
    inp["b_b1"] = jnp.zeros((d2,), dtype=jnp.float32)
    inp["b_W2"] = jax.random.normal(ks[6], (d2, d2), dtype=jnp.float32) * s
    inp["b_b2"] = jnp.zeros((d2,), dtype=jnp.float32)
    return inp


def reference(node_embeddings, rel_unary_indices, rel_binary_indices,
              u_W1, u_b1, u_W2, u_b2, b_W1, b_b1, b_W2, b_b2):
    # unary relation: arity 1 -> input_size = 1*EMB
    e_u = jnp.take(node_embeddings, rel_unary_indices, axis=0).reshape(-1, 1 * EMB)
    m_u = (e_u + _mlp(e_u, u_W1, u_b1, u_W2, u_b2)).reshape(-1, EMB)
    # binary relation: arity 2 -> input_size = 2*EMB
    e_b = jnp.take(node_embeddings, rel_binary_indices, axis=0).reshape(-1, 2 * EMB)
    m_b = (e_b + _mlp(e_b, b_W1, b_b1, b_W2, b_b2)).reshape(-1, EMB)
    output_messages = jnp.concatenate([m_u, m_b], axis=0)
    output_indices = jnp.concatenate([rel_unary_indices, rel_binary_indices], axis=0)
    return output_messages, output_indices

if __name__ == "__main__":
    import jax
    _d = setup_inputs()
    print(jax.jit(kernel)(*tuple(_d.values())))

</pallas_src>

<mosaic_0001>
#map = affine_map<(d0, d1) -> (0, 0)>
#map1 = affine_map<(d0, d1) -> (0)>
module attributes {stable_mosaic.version = 14 : i64} {
  func.func @k(%arg0: i32, %arg1: i32, %arg2: memref<100000x128xf32, #tpu.memory_space<hbm>>, %arg3: memref<100000x128xf32, #tpu.memory_space<hbm>>, %arg4: memref<200704xi32, #tpu.memory_space<hbm>>, %arg5: memref<401408xi32, #tpu.memory_space<hbm>>, %arg6: memref<600000x128xf32, #tpu.memory_space<hbm>>, %arg7: memref<401408x128xf32, #tpu.memory_space<hbm>>, %arg8: memref<448xi32, #tpu.memory_space<vmem>>, %arg9: memref<448xi32, #tpu.memory_space<vmem>>, %arg10: memref<448x128xf32, #tpu.memory_space<vmem>>, %arg11: memref<448x128xf32, #tpu.memory_space<vmem>>, %arg12: memref<!tpu.dma_semaphore, #tpu.memory_space<semaphore_mem>>, %arg13: memref<!tpu.dma_semaphore, #tpu.memory_space<semaphore_mem>>, %arg14: memref<!tpu.dma_semaphore, #tpu.memory_space<semaphore_mem>>, %arg15: memref<!tpu.dma_semaphore, #tpu.memory_space<semaphore_mem>>, %arg16: memref<!tpu.dma_semaphore, #tpu.memory_space<semaphore_mem>>, %arg17: memref<!tpu.dma_semaphore, #tpu.memory_space<semaphore_mem>>) attributes {dimension_semantics = [#tpu.dimension_semantics<core_parallel>, #tpu.dimension_semantics<subcore_parallel>], iteration_bounds = array<i64: 2, 16>, scalar_prefetch = 0 : i64, scratch_operands = 10 : i64, tpu.core_type = #tpu.core_type<sc_vector_subcore>, window_params = [{transform_indices = #map}, {transform_indices = #map}, {transform_indices = #map1}, {transform_indices = #map1}, {transform_indices = #map}, {transform_indices = #map}]} {
    %mul3A = arith.constant 2 : i32
    %mul3A_0 = arith.muli %arg1, %mul3A : i32
    %add3A = arith.addi %mul3A_0, %arg0 : i32
    %mul3A_1 = arith.constant 448 : i32
    %mul3A_2 = arith.muli %add3A, %mul3A_1 : i32
    %dma_start3A = tpu.memref_slice %arg4[%mul3A_2] : memref<200704xi32, #tpu.memory_space<hbm>> -> memref<448xi32, #tpu.memory_space<hbm>>
    %dma_start3A_3 = tpu.memref_slice %arg4[%mul3A_2] : memref<200704xi32, #tpu.memory_space<hbm>> -> memref<448xi32, #tpu.memory_space<hbm>>
    tpu.enqueue_dma source(%dma_start3A_3 : memref<448xi32, #tpu.memory_space<hbm>>) target(%arg8 : memref<448xi32, #tpu.memory_space<vmem>>) target_semaphore(%arg12 : memref<!tpu.dma_semaphore, #tpu.memory_space<semaphore_mem>>)
    %scan3A = arith.constant 0 : i32
    %scan3A_4 = arith.constant 0 : i32
    %scan3A_5 = arith.constant 7 : i32
    %scan3A_6 = arith.addi %scan3A_4, %scan3A_5 : i32
    %scan3A_7 = arith.constant 1 : i32
    scf.for %scan3A_42 = %scan3A_4 to %scan3A_6 step %scan3A_7  : i32 {
      %mul3A_43 = arith.constant 2 : i32
      %mul3A_44 = arith.muli %mul3A_43, %scan3A_42 : i32
      %ge3A = arith.constant 2 : i32
      %ge3A_45 = arith.cmpi sge, %mul3A_44, %ge3A : i32
      %convert_element_type3A = arith.extui %ge3A_45 : i1 to i32
      %cond3A = arith.constant 0 : i32
      %cond3A_46 = arith.cmpi ne, %convert_element_type3A, %cond3A : i32
      scf.if %cond3A_46 {
        %dma_wait3A_107 = arith.constant 0 : i32
        %dma_wait3A_108 = arith.constant 0 : i32
        %dma_wait3A_109 = tpu.memref_slice %arg6[%dma_wait3A_107, %dma_wait3A_108] : memref<600000x128xf32, #tpu.memory_space<hbm>> -> memref<448x128xf32, #tpu.memory_space<hbm>>
        %dma_wait3A_110 = arith.constant 0 : i32
        %dma_wait3A_111 = arith.constant 0 : i32
        %dma_wait3A_112 = tpu.memref_slice %arg6[%dma_wait3A_110, %dma_wait3A_111] : memref<600000x128xf32, #tpu.memory_space<hbm>> -> memref<448x128xf32, #tpu.memory_space<hbm>>
        tpu.wait_dma2 semaphore(%arg16 : memref<!tpu.dma_semaphore, #tpu.memory_space<semaphore_mem>>) src(%dma_wait3A_112 : memref<448x128xf32, #tpu.memory_space<hbm>>) dst(%arg10 : memref<448x128xf32, #tpu.memory_space<vmem>>)
      } else {
      }
      %dma_wait3A_47 = arith.constant 0 : i32
      %dma_wait3A_48 = tpu.memref_slice %arg4[%dma_wait3A_47] : memref<200704xi32, #tpu.memory_space<hbm>> -> memref<448xi32, #tpu.memory_space<hbm>>
      %dma_wait3A_49 = arith.constant 0 : i32
      %dma_wait3A_50 = tpu.memref_slice %arg4[%dma_wait3A_49] : memref<200704xi32, #tpu.memory_space<hbm>> -> memref<448xi32, #tpu.memory_space<hbm>>
      tpu.wait_dma2 semaphore(%arg12 : memref<!tpu.dma_semaphore, #tpu.memory_space<semaphore_mem>>) src(%dma_wait3A_50 : memref<448xi32, #tpu.memory_space<hbm>>) dst(%arg8 : memref<448xi32, #tpu.memory_space<vmem>>)
      %dma_start3A_51 = arith.constant 0 : i32
      %dma_start3A_52 = arith.constant 0 : i32
      %dma_start3A_53 = tpu.memref_slice %arg3[%dma_start3A_51, %dma_start3A_52] : memref<100000x128xf32, #tpu.memory_space<hbm>> -> memref<100000x128xf32, #tpu.memory_space<hbm>>
      tpu.enqueue_indirect_dma source(%dma_start3A_53 : memref<100000x128xf32, #tpu.memory_space<hbm>>) target(%arg10 : memref<448x128xf32, #tpu.memory_space<vmem>>) offsets(%arg8 : memref<448xi32, #tpu.memory_space<vmem>>) semaphore(%arg14 : memref<!tpu.dma_semaphore, #tpu.memory_space<semaphore_mem>>)
      %add3A_54 = arith.constant 1 : i32
      %add3A_55 = arith.addi %mul3A_44, %add3A_54 : i32
      %lt3A = arith.constant 14 : i32
      %lt3A_56 = arith.cmpi slt, %add3A_55, %lt3A : i32
      %convert_element_type3A_57 = arith.extui %lt3A_56 : i1 to i32
      %cond3A_58 = arith.constant 0 : i32
      %cond3A_59 = arith.cmpi ne, %convert_element_type3A_57, %cond3A_58 : i32
      scf.if %cond3A_59 {
        %add3A_107 = arith.constant 1 : i32
        %add3A_108 = arith.addi %mul3A_44, %add3A_107 : i32
        %mul3A_109 = arith.constant 32 : i32
        %mul3A_110 = arith.muli %mul3A_109, %add3A_108 : i32
        %add3A_111 = arith.addi %add3A, %mul3A_110 : i32
        %mul3A_112 = arith.constant 448 : i32
        %mul3A_113 = arith.muli %add3A_111, %mul3A_112 : i32
        %dma_start3A_114 = tpu.memref_slice %arg4[%mul3A_113] : memref<200704xi32, #tpu.memory_space<hbm>> -> memref<448xi32, #tpu.memory_space<hbm>>
        %dma_start3A_115 = tpu.memref_slice %arg4[%mul3A_113] : memref<200704xi32, #tpu.memory_space<hbm>> -> memref<448xi32, #tpu.memory_space<hbm>>
        tpu.enqueue_dma source(%dma_start3A_115 : memref<448xi32, #tpu.memory_space<hbm>>) target(%arg9 : memref<448xi32, #tpu.memory_space<vmem>>) target_semaphore(%arg13 : memref<!tpu.dma_semaphore, #tpu.memory_space<semaphore_mem>>)
      } else {
      }
      %dma_wait3A_60 = arith.constant 0 : i32
      %dma_wait3A_61 = arith.constant 0 : i32
      %dma_wait3A_62 = tpu.memref_slice %arg3[%dma_wait3A_60, %dma_wait3A_61] : memref<100000x128xf32, #tpu.memory_space<hbm>> -> memref<100000x128xf32, #tpu.memory_space<hbm>>
      tpu.wait_indirect_dma semaphore(%arg14 : memref<!tpu.dma_semaphore, #tpu.memory_space<semaphore_mem>>) src(%dma_wait3A_62 : memref<100000x128xf32, #tpu.memory_space<hbm>>) dst(%arg10 : memref<448x128xf32, #tpu.memory_space<vmem>>)
      %mul3A_63 = arith.constant 32 : i32
      %mul3A_64 = arith.muli %mul3A_63, %mul3A_44 : i32
      %add3A_65 = arith.addi %add3A, %mul3A_64 : i32
      %mul3A_66 = arith.constant 448 : i32
      %mul3A_67 = arith.muli %add3A_65, %mul3A_66 : i32
      %dma_start3A_68 = arith.constant 0 : i32
      %dma_start3A_69 = tpu.memref_slice %arg6[%mul3A_67, %dma_start3A_68] : memref<600000x128xf32, #tpu.memory_space<hbm>> -> memref<448x128xf32, #tpu.memory_space<hbm>>
      %dma_start3A_70 = arith.constant 0 : i32
      %dma_start3A_71 = tpu.memref_slice %arg6[%mul3A_67, %dma_start3A_70] : memref<600000x128xf32, #tpu.memory_space<hbm>> -> memref<448x128xf32, #tpu.memory_space<hbm>>
      tpu.enqueue_dma source(%arg10 : memref<448x128xf32, #tpu.memory_space<vmem>>) target(%dma_start3A_71 : memref<448x128xf32, #tpu.memory_space<hbm>>) target_semaphore(%arg16 : memref<!tpu.dma_semaphore, #tpu.memory_space<semaphore_mem>>)
      %mul3A_72 = arith.constant 2 : i32
      %mul3A_73 = arith.muli %mul3A_72, %scan3A_42 : i32
      %add3A_74 = arith.constant 1 : i32
      %add3A_75 = arith.addi %mul3A_73, %add3A_74 : i32
      %ge3A_76 = arith.constant 2 : i32
      %ge3A_77 = arith.cmpi sge, %add3A_75, %ge3A_76 : i32
      %convert_element_type3A_78 = arith.extui %ge3A_77 : i1 to i32
      %cond3A_79 = arith.constant 0 : i32
      %cond3A_80 = arith.cmpi ne, %convert_element_type3A_78, %cond3A_79 : i32
      scf.if %cond3A_80 {
        %dma_wait3A_107 = arith.constant 0 : i32
        %dma_wait3A_108 = arith.constant 0 : i32
        %dma_wait3A_109 = tpu.memref_slice %arg6[%dma_wait3A_107, %dma_wait3A_108] : memref<600000x128xf32, #tpu.memory_space<hbm>> -> memref<448x128xf32, #tpu.memory_space<hbm>>
        %dma_wait3A_110 = arith.constant 0 : i32
        %dma_wait3A_111 = arith.constant 0 : i32
        %dma_wait3A_112 = tpu.memref_slice %arg6[%dma_wait3A_110, %dma_wait3A_111] : memref<600000x128xf32, #tpu.memory_space<hbm>> -> memref<448x128xf32, #tpu.memory_space<hbm>>
        tpu.wait_dma2 semaphore(%arg17 : memref<!tpu.dma_semaphore, #tpu.memory_space<semaphore_mem>>) src(%dma_wait3A_112 : memref<448x128xf32, #tpu.memory_space<hbm>>) dst(%arg11 : memref<448x128xf32, #tpu.memory_space<vmem>>)
      } else {
      }
      %dma_wait3A_81 = arith.constant 0 : i32
      %dma_wait3A_82 = tpu.memref_slice %arg4[%dma_wait3A_81] : memref<200704xi32, #tpu.memory_space<hbm>> -> memref<448xi32, #tpu.memory_space<hbm>>
      %dma_wait3A_83 = arith.constant 0 : i32
      %dma_wait3A_84 = tpu.memref_slice %arg4[%dma_wait3A_83] : memref<200704xi32, #tpu.memory_space<hbm>> -> memref<448xi32, #tpu.memory_space<hbm>>
      tpu.wait_dma2 semaphore(%arg13 : memref<!tpu.dma_semaphore, #tpu.memory_space<semaphore_mem>>) src(%dma_wait3A_84 : memref<448xi32, #tpu.memory_space<hbm>>) dst(%arg9 : memref<448xi32, #tpu.memory_space<vmem>>)
      %dma_start3A_85 = arith.constant 0 : i32
      %dma_start3A_86 = arith.constant 0 : i32
      %dma_start3A_87 = tpu.memref_slice %arg3[%dma_start3A_85, %dma_start3A_86] : memref<100000x128xf32, #tpu.memory_space<hbm>> -> memref<100000x128xf32, #tpu.memory_space<hbm>>
      tpu.enqueue_indirect_dma source(%dma_start3A_87 : memref<100000x128xf32, #tpu.memory_space<hbm>>) target(%arg11 : memref<448x128xf32, #tpu.memory_space<vmem>>) offsets(%arg9 : memref<448xi32, #tpu.memory_space<vmem>>) semaphore(%arg15 : memref<!tpu.dma_semaphore, #tpu.memory_space<semaphore_mem>>)
      %add3A_88 = arith.constant 1 : i32
      %add3A_89 = arith.addi %add3A_75, %add3A_88 : i32
      %lt3A_90 = arith.constant 14 : i32
      %lt3A_91 = arith.cmpi slt, %add3A_89, %lt3A_90 : i32
      %convert_element_type3A_92 = arith.extui %lt3A_91 : i1 to i32
      %cond3A_93 = arith.constant 0 : i32
      %cond3A_94 = arith.cmpi ne, %convert_element_type3A_92, %cond3A_93 : i32
      scf.if %cond3A_94 {
        %add3A_107 = arith.constant 1 : i32
        %add3A_108 = arith.addi %add3A_75, %add3A_107 : i32
        %mul3A_109 = arith.constant 32 : i32
        %mul3A_110 = arith.muli %mul3A_109, %add3A_108 : i32
        %add3A_111 = arith.addi %add3A, %mul3A_110 : i32
        %mul3A_112 = arith.constant 448 : i32
        %mul3A_113 = arith.muli %add3A_111, %mul3A_112 : i32
        %dma_start3A_114 = tpu.memref_slice %arg4[%mul3A_113] : memref<200704xi32, #tpu.memory_space<hbm>> -> memref<448xi32, #tpu.memory_space<hbm>>
        %dma_start3A_115 = tpu.memref_slice %arg4[%mul3A_113] : memref<200704xi32, #tpu.memory_space<hbm>> -> memref<448xi32, #tpu.memory_space<hbm>>
        tpu.enqueue_dma source(%dma_start3A_115 : memref<448xi32, #tpu.memory_space<hbm>>) target(%arg8 : memref<448xi32, #tpu.memory_space<vmem>>) target_semaphore(%arg12 : memref<!tpu.dma_semaphore, #tpu.memory_space<semaphore_mem>>)
      } else {
      }
      %dma_wait3A_95 = arith.constant 0 : i32
      %dma_wait3A_96 = arith.constant 0 : i32
      %dma_wait3A_97 = tpu.memref_slice %arg3[%dma_wait3A_95, %dma_wait3A_96] : memref<100000x128xf32, #tpu.memory_space<hbm>> -> memref<100000x128xf32, #tpu.memory_space<hbm>>
      tpu.wait_indirect_dma semaphore(%arg15 : memref<!tpu.dma_semaphore, #tpu.memory_space<semaphore_mem>>) src(%dma_wait3A_97 : memref<100000x128xf32, #tpu.memory_space<hbm>>) dst(%arg11 : memref<448x128xf32, #tpu.memory_space<vmem>>)
      %mul3A_98 = arith.constant 32 : i32
      %mul3A_99 = arith.muli %mul3A_98, %add3A_75 : i32
      %add3A_100 = arith.addi %add3A, %mul3A_99 : i32
      %mul3A_101 = arith.constant 448 : i32
      %mul3A_102 = arith.muli %add3A_100, %mul3A_101 : i32
      %dma_start3A_103 = arith.constant 0 : i32
      %dma_start3A_104 = tpu.memref_slice %arg6[%mul3A_102, %dma_start3A_103] : memref<600000x128xf32, #tpu.memory_space<hbm>> -> memref<448x128xf32, #tpu.memory_space<hbm>>
      %dma_start3A_105 = arith.constant 0 : i32
      %dma_start3A_106 = tpu.memref_slice %arg6[%mul3A_102, %dma_start3A_105] : memref<600000x128xf32, #tpu.memory_space<hbm>> -> memref<448x128xf32, #tpu.memory_space<hbm>>
      tpu.enqueue_dma source(%arg11 : memref<448x128xf32, #tpu.memory_space<vmem>>) target(%dma_start3A_106 : memref<448x128xf32, #tpu.memory_space<hbm>>) target_semaphore(%arg17 : memref<!tpu.dma_semaphore, #tpu.memory_space<semaphore_mem>>)
    }
    %scan3A_8 = arith.constant 7 : i32
    %dma_wait3A = arith.constant 0 : i32
    %dma_wait3A_9 = arith.constant 0 : i32
    %dma_wait3A_10 = tpu.memref_slice %arg6[%dma_wait3A, %dma_wait3A_9] : memref<600000x128xf32, #tpu.memory_space<hbm>> -> memref<448x128xf32, #tpu.memory_space<hbm>>
    %dma_wait3A_11 = arith.constant 0 : i32
    %dma_wait3A_12 = arith.constant 0 : i32
    %dma_wait3A_13 = tpu.memref_slice %arg6[%dma_wait3A_11, %dma_wait3A_12] : memref<600000x128xf32, #tpu.memory_space<hbm>> -> memref<448x128xf32, #tpu.memory_space<hbm>>
    tpu.wait_dma2 semaphore(%arg16 : memref<!tpu.dma_semaphore, #tpu.memory_space<semaphore_mem>>) src(%dma_wait3A_13 : memref<448x128xf32, #tpu.memory_space<hbm>>) dst(%arg10 : memref<448x128xf32, #tpu.memory_space<vmem>>)
    %dma_wait3A_14 = arith.constant 0 : i32
    %dma_wait3A_15 = arith.constant 0 : i32
    %dma_wait3A_16 = tpu.memref_slice %arg6[%dma_wait3A_14, %dma_wait3A_15] : memref<600000x128xf32, #tpu.memory_space<hbm>> -> memref<448x128xf32, #tpu.memory_space<hbm>>
    %dma_wait3A_17 = arith.constant 0 : i32
    %dma_wait3A_18 = arith.constant 0 : i32
    %dma_wait3A_19 = tpu.memref_slice %arg6[%dma_wait3A_17, %dma_wait3A_18] : memref<600000x128xf32, #tpu.memory_space<hbm>> -> memref<448x128xf32, #tpu.memory_space<hbm>>
    tpu.wait_dma2 semaphore(%arg17 : memref<!tpu.dma_semaphore, #tpu.memory_space<semaphore_mem>>) src(%dma_wait3A_19 : memref<448x128xf32, #tpu.memory_space<hbm>>) dst(%arg11 : memref<448x128xf32, #tpu.memory_space<vmem>>)
    %mul3A_20 = arith.constant 448 : i32
    %mul3A_21 = arith.muli %add3A, %mul3A_20 : i32
    %dma_start3A_22 = tpu.memref_slice %arg5[%mul3A_21] : memref<401408xi32, #tpu.memory_space<hbm>> -> memref<448xi32, #tpu.memory_space<hbm>>
    %dma_start3A_23 = tpu.memref_slice %arg5[%mul3A_21] : memref<401408xi32, #tpu.memory_space<hbm>> -> memref<448xi32, #tpu.memory_space<hbm>>
    tpu.enqueue_dma source(%dma_start3A_23 : memref<448xi32, #tpu.memory_space<hbm>>) target(%arg8 : memref<448xi32, #tpu.memory_space<vmem>>) target_semaphore(%arg12 : memref<!tpu.dma_semaphore, #tpu.memory_space<semaphore_mem>>)
    %scan3A_24 = arith.constant 0 : i32
    %scan3A_25 = arith.constant 0 : i32
    %scan3A_26 = arith.constant 14 : i32
    %scan3A_27 = arith.addi %scan3A_25, %scan3A_26 : i32
    %scan3A_28 = arith.constant 1 : i32
    scf.for %scan3A_42 = %scan3A_25 to %scan3A_27 step %scan3A_28  : i32 {
      %mul3A_43 = arith.constant 2 : i32
      %mul3A_44 = arith.muli %mul3A_43, %scan3A_42 : i32
      %ge3A = arith.constant 2 : i32
      %ge3A_45 = arith.cmpi sge, %mul3A_44, %ge3A : i32
      %convert_element_type3A = arith.extui %ge3A_45 : i1 to i32
      %cond3A = arith.constant 0 : i32
      %cond3A_46 = arith.cmpi ne, %convert_element_type3A, %cond3A : i32
      scf.if %cond3A_46 {
        %dma_wait3A_107 = arith.constant 0 : i32
        %dma_wait3A_108 = arith.constant 0 : i32
        %dma_wait3A_109 = tpu.memref_slice %arg7[%dma_wait3A_107, %dma_wait3A_108] : memref<401408x128xf32, #tpu.memory_space<hbm>> -> memref<448x128xf32, #tpu.memory_space<hbm>>
        %dma_wait3A_110 = arith.constant 0 : i32
        %dma_wait3A_111 = arith.constant 0 : i32
        %dma_wait3A_112 = tpu.memref_slice %arg7[%dma_wait3A_110, %dma_wait3A_111] : memref<401408x128xf32, #tpu.memory_space<hbm>> -> memref<448x128xf32, #tpu.memory_space<hbm>>
        tpu.wait_dma2 semaphore(%arg16 : memref<!tpu.dma_semaphore, #tpu.memory_space<semaphore_mem>>) src(%dma_wait3A_112 : memref<448x128xf32, #tpu.memory_space<hbm>>) dst(%arg10 : memref<448x128xf32, #tpu.memory_space<vmem>>)
      } else {
      }
      %dma_wait3A_47 = arith.constant 0 : i32
      %dma_wait3A_48 = tpu.memref_slice %arg5[%dma_wait3A_47] : memref<401408xi32, #tpu.memory_space<hbm>> -> memref<448xi32, #tpu.memory_space<hbm>>
      %dma_wait3A_49 = arith.constant 0 : i32
      %dma_wait3A_50 = tpu.memref_slice %arg5[%dma_wait3A_49] : memref<401408xi32, #tpu.memory_space<hbm>> -> memref<448xi32, #tpu.memory_space<hbm>>
      tpu.wait_dma2 semaphore(%arg12 : memref<!tpu.dma_semaphore, #tpu.memory_space<semaphore_mem>>) src(%dma_wait3A_50 : memref<448xi32, #tpu.memory_space<hbm>>) dst(%arg8 : memref<448xi32, #tpu.memory_space<vmem>>)
      %dma_start3A_51 = arith.constant 0 : i32
      %dma_start3A_52 = arith.constant 0 : i32
      %dma_start3A_53 = tpu.memref_slice %arg2[%dma_start3A_51, %dma_start3A_52] : memref<100000x128xf32, #tpu.memory_space<hbm>> -> memref<100000x128xf32, #tpu.memory_space<hbm>>
      tpu.enqueue_indirect_dma source(%dma_start3A_53 : memref<100000x128xf32, #tpu.memory_space<hbm>>) target(%arg10 : memref<448x128xf32, #tpu.memory_space<vmem>>) offsets(%arg8 : memref<448xi32, #tpu.memory_space<vmem>>) semaphore(%arg14 : memref<!tpu.dma_semaphore, #tpu.memory_space<semaphore_mem>>)
      %add3A_54 = arith.constant 1 : i32
      %add3A_55 = arith.addi %mul3A_44, %add3A_54 : i32
      %lt3A = arith.constant 28 : i32
      %lt3A_56 = arith.cmpi slt, %add3A_55, %lt3A : i32
      %convert_element_type3A_57 = arith.extui %lt3A_56 : i1 to i32
      %cond3A_58 = arith.constant 0 : i32
      %cond3A_59 = arith.cmpi ne, %convert_element_type3A_57, %cond3A_58 : i32
      scf.if %cond3A_59 {
        %add3A_107 = arith.constant 1 : i32
        %add3A_108 = arith.addi %mul3A_44, %add3A_107 : i32
        %mul3A_109 = arith.constant 32 : i32
        %mul3A_110 = arith.muli %mul3A_109, %add3A_108 : i32
        %add3A_111 = arith.addi %add3A, %mul3A_110 : i32
        %mul3A_112 = arith.constant 448 : i32
        %mul3A_113 = arith.muli %add3A_111, %mul3A_112 : i32
        %dma_start3A_114 = tpu.memref_slice %arg5[%mul3A_113] : memref<401408xi32, #tpu.memory_space<hbm>> -> memref<448xi32, #tpu.memory_space<hbm>>
        %dma_start3A_115 = tpu.memref_slice %arg5[%mul3A_113] : memref<401408xi32, #tpu.memory_space<hbm>> -> memref<448xi32, #tpu.memory_space<hbm>>
        tpu.enqueue_dma source(%dma_start3A_115 : memref<448xi32, #tpu.memory_space<hbm>>) target(%arg9 : memref<448xi32, #tpu.memory_space<vmem>>) target_semaphore(%arg13 : memref<!tpu.dma_semaphore, #tpu.memory_space<semaphore_mem>>)
      } else {
      }
      %dma_wait3A_60 = arith.constant 0 : i32
      %dma_wait3A_61 = arith.constant 0 : i32
      %dma_wait3A_62 = tpu.memref_slice %arg2[%dma_wait3A_60, %dma_wait3A_61] : memref<100000x128xf32, #tpu.memory_space<hbm>> -> memref<100000x128xf32, #tpu.memory_space<hbm>>
      tpu.wait_indirect_dma semaphore(%arg14 : memref<!tpu.dma_semaphore, #tpu.memory_space<semaphore_mem>>) src(%dma_wait3A_62 : memref<100000x128xf32, #tpu.memory_space<hbm>>) dst(%arg10 : memref<448x128xf32, #tpu.memory_space<vmem>>)
      %mul3A_63 = arith.constant 32 : i32
      %mul3A_64 = arith.muli %mul3A_63, %mul3A_44 : i32
      %add3A_65 = arith.addi %add3A, %mul3A_64 : i32
      %mul3A_66 = arith.constant 448 : i32
      %mul3A_67 = arith.muli %add3A_65, %mul3A_66 : i32
      %dma_start3A_68 = arith.constant 0 : i32
      %dma_start3A_69 = tpu.memref_slice %arg7[%mul3A_67, %dma_start3A_68] : memref<401408x128xf32, #tpu.memory_space<hbm>> -> memref<448x128xf32, #tpu.memory_space<hbm>>
      %dma_start3A_70 = arith.constant 0 : i32
      %dma_start3A_71 = tpu.memref_slice %arg7[%mul3A_67, %dma_start3A_70] : memref<401408x128xf32, #tpu.memory_space<hbm>> -> memref<448x128xf32, #tpu.memory_space<hbm>>
      tpu.enqueue_dma source(%arg10 : memref<448x128xf32, #tpu.memory_space<vmem>>) target(%dma_start3A_71 : memref<448x128xf32, #tpu.memory_space<hbm>>) target_semaphore(%arg16 : memref<!tpu.dma_semaphore, #tpu.memory_space<semaphore_mem>>)
      %mul3A_72 = arith.constant 2 : i32
      %mul3A_73 = arith.muli %mul3A_72, %scan3A_42 : i32
      %add3A_74 = arith.constant 1 : i32
      %add3A_75 = arith.addi %mul3A_73, %add3A_74 : i32
      %ge3A_76 = arith.constant 2 : i32
      %ge3A_77 = arith.cmpi sge, %add3A_75, %ge3A_76 : i32
      %convert_element_type3A_78 = arith.extui %ge3A_77 : i1 to i32
      %cond3A_79 = arith.constant 0 : i32
      %cond3A_80 = arith.cmpi ne, %convert_element_type3A_78, %cond3A_79 : i32
      scf.if %cond3A_80 {
        %dma_wait3A_107 = arith.constant 0 : i32
        %dma_wait3A_108 = arith.constant 0 : i32
        %dma_wait3A_109 = tpu.memref_slice %arg7[%dma_wait3A_107, %dma_wait3A_108] : memref<401408x128xf32, #tpu.memory_space<hbm>> -> memref<448x128xf32, #tpu.memory_space<hbm>>
        %dma_wait3A_110 = arith.constant 0 : i32
        %dma_wait3A_111 = arith.constant 0 : i32
        %dma_wait3A_112 = tpu.memref_slice %arg7[%dma_wait3A_110, %dma_wait3A_111] : memref<401408x128xf32, #tpu.memory_space<hbm>> -> memref<448x128xf32, #tpu.memory_space<hbm>>
        tpu.wait_dma2 semaphore(%arg17 : memref<!tpu.dma_semaphore, #tpu.memory_space<semaphore_mem>>) src(%dma_wait3A_112 : memref<448x128xf32, #tpu.memory_space<hbm>>) dst(%arg11 : memref<448x128xf32, #tpu.memory_space<vmem>>)
      } else {
      }
      %dma_wait3A_81 = arith.constant 0 : i32
      %dma_wait3A_82 = tpu.memref_slice %arg5[%dma_wait3A_81] : memref<401408xi32, #tpu.memory_space<hbm>> -> memref<448xi32, #tpu.memory_space<hbm>>
      %dma_wait3A_83 = arith.constant 0 : i32
      %dma_wait3A_84 = tpu.memref_slice %arg5[%dma_wait3A_83] : memref<401408xi32, #tpu.memory_space<hbm>> -> memref<448xi32, #tpu.memory_space<hbm>>
      tpu.wait_dma2 semaphore(%arg13 : memref<!tpu.dma_semaphore, #tpu.memory_space<semaphore_mem>>) src(%dma_wait3A_84 : memref<448xi32, #tpu.memory_space<hbm>>) dst(%arg9 : memref<448xi32, #tpu.memory_space<vmem>>)
      %dma_start3A_85 = arith.constant 0 : i32
      %dma_start3A_86 = arith.constant 0 : i32
      %dma_start3A_87 = tpu.memref_slice %arg2[%dma_start3A_85, %dma_start3A_86] : memref<100000x128xf32, #tpu.memory_space<hbm>> -> memref<100000x128xf32, #tpu.memory_space<hbm>>
      tpu.enqueue_indirect_dma source(%dma_start3A_87 : memref<100000x128xf32, #tpu.memory_space<hbm>>) target(%arg11 : memref<448x128xf32, #tpu.memory_space<vmem>>) offsets(%arg9 : memref<448xi32, #tpu.memory_space<vmem>>) semaphore(%arg15 : memref<!tpu.dma_semaphore, #tpu.memory_space<semaphore_mem>>)
      %add3A_88 = arith.constant 1 : i32
      %add3A_89 = arith.addi %add3A_75, %add3A_88 : i32
      %lt3A_90 = arith.constant 28 : i32
      %lt3A_91 = arith.cmpi slt, %add3A_89, %lt3A_90 : i32
      %convert_element_type3A_92 = arith.extui %lt3A_91 : i1 to i32
      %cond3A_93 = arith.constant 0 : i32
      %cond3A_94 = arith.cmpi ne, %convert_element_type3A_92, %cond3A_93 : i32
      scf.if %cond3A_94 {
        %add3A_107 = arith.constant 1 : i32
        %add3A_108 = arith.addi %add3A_75, %add3A_107 : i32
        %mul3A_109 = arith.constant 32 : i32
        %mul3A_110 = arith.muli %mul3A_109, %add3A_108 : i32
        %add3A_111 = arith.addi %add3A, %mul3A_110 : i32
        %mul3A_112 = arith.constant 448 : i32
        %mul3A_113 = arith.muli %add3A_111, %mul3A_112 : i32
        %dma_start3A_114 = tpu.memref_slice %arg5[%mul3A_113] : memref<401408xi32, #tpu.memory_space<hbm>> -> memref<448xi32, #tpu.memory_space<hbm>>
        %dma_start3A_115 = tpu.memref_slice %arg5[%mul3A_113] : memref<401408xi32, #tpu.memory_space<hbm>> -> memref<448xi32, #tpu.memory_space<hbm>>
        tpu.enqueue_dma source(%dma_start3A_115 : memref<448xi32, #tpu.memory_space<hbm>>) target(%arg8 : memref<448xi32, #tpu.memory_space<vmem>>) target_semaphore(%arg12 : memref<!tpu.dma_semaphore, #tpu.memory_space<semaphore_mem>>)
      } else {
      }
      %dma_wait3A_95 = arith.constant 0 : i32
      %dma_wait3A_96 = arith.constant 0 : i32
      %dma_wait3A_97 = tpu.memref_slice %arg2[%dma_wait3A_95, %dma_wait3A_96] : memref<100000x128xf32, #tpu.memory_space<hbm>> -> memref<100000x128xf32, #tpu.memory_space<hbm>>
      tpu.wait_indirect_dma semaphore(%arg15 : memref<!tpu.dma_semaphore, #tpu.memory_space<semaphore_mem>>) src(%dma_wait3A_97 : memref<100000x128xf32, #tpu.memory_space<hbm>>) dst(%arg11 : memref<448x128xf32, #tpu.memory_space<vmem>>)
      %mul3A_98 = arith.constant 32 : i32
      %mul3A_99 = arith.muli %mul3A_98, %add3A_75 : i32
      %add3A_100 = arith.addi %add3A, %mul3A_99 : i32
      %mul3A_101 = arith.constant 448 : i32
      %mul3A_102 = arith.muli %add3A_100, %mul3A_101 : i32
      %dma_start3A_103 = arith.constant 0 : i32
      %dma_start3A_104 = tpu.memref_slice %arg7[%mul3A_102, %dma_start3A_103] : memref<401408x128xf32, #tpu.memory_space<hbm>> -> memref<448x128xf32, #tpu.memory_space<hbm>>
      %dma_start3A_105 = arith.constant 0 : i32
      %dma_start3A_106 = tpu.memref_slice %arg7[%mul3A_102, %dma_start3A_105] : memref<401408x128xf32, #tpu.memory_space<hbm>> -> memref<448x128xf32, #tpu.memory_space<hbm>>
      tpu.enqueue_dma source(%arg11 : memref<448x128xf32, #tpu.memory_space<vmem>>) target(%dma_start3A_106 : memref<448x128xf32, #tpu.memory_space<hbm>>) target_semaphore(%arg17 : memref<!tpu.dma_semaphore, #tpu.memory_space<semaphore_mem>>)
    }
    %scan3A_29 = arith.constant 14 : i32
    %dma_wait3A_30 = arith.constant 0 : i32
    %dma_wait3A_31 = arith.constant 0 : i32
    %dma_wait3A_32 = tpu.memref_slice %arg7[%dma_wait3A_30, %dma_wait3A_31] : memref<401408x128xf32, #tpu.memory_space<hbm>> -> memref<448x128xf32, #tpu.memory_space<hbm>>
    %dma_wait3A_33 = arith.constant 0 : i32
    %dma_wait3A_34 = arith.constant 0 : i32
    %dma_wait3A_35 = tpu.memref_slice %arg7[%dma_wait3A_33, %dma_wait3A_34] : memref<401408x128xf32, #tpu.memory_space<hbm>> -> memref<448x128xf32, #tpu.memory_space<hbm>>
    tpu.wait_dma2 semaphore(%arg16 : memref<!tpu.dma_semaphore, #tpu.memory_space<semaphore_mem>>) src(%dma_wait3A_35 : memref<448x128xf32, #tpu.memory_space<hbm>>) dst(%arg10 : memref<448x128xf32, #tpu.memory_space<vmem>>)
    %dma_wait3A_36 = arith.constant 0 : i32
    %dma_wait3A_37 = arith.constant 0 : i32
    %dma_wait3A_38 = tpu.memref_slice %arg7[%dma_wait3A_36, %dma_wait3A_37] : memref<401408x128xf32, #tpu.memory_space<hbm>> -> memref<448x128xf32, #tpu.memory_space<hbm>>
    %dma_wait3A_39 = arith.constant 0 : i32
    %dma_wait3A_40 = arith.constant 0 : i32
    %dma_wait3A_41 = tpu.memref_slice %arg7[%dma_wait3A_39, %dma_wait3A_40] : memref<401408x128xf32, #tpu.memory_space<hbm>> -> memref<448x128xf32, #tpu.memory_space<hbm>>
    tpu.wait_dma2 semaphore(%arg17 : memref<!tpu.dma_semaphore, #tpu.memory_space<semaphore_mem>>) src(%dma_wait3A_41 : memref<448x128xf32, #tpu.memory_space<hbm>>) dst(%arg11 : memref<448x128xf32, #tpu.memory_space<vmem>>)
    return
  }
}

module attributes {stable_mosaic.version = 14 : i64} {
  func.func @_unary_body(%arg0: i32, %arg1: memref<2000x128xf32, #tpu.memory_space<vmem>>, %arg2: memref<128x128xf32, #tpu.memory_space<vmem>>, %arg3: memref<1x128xf32, #tpu.memory_space<vmem>>, %arg4: memref<128x128xf32, #tpu.memory_space<vmem>>, %arg5: memref<1x128xf32, #tpu.memory_space<vmem>>, %arg6: memref<2000x128xf32, #tpu.memory_space<vmem>>) attributes {dimension_semantics = [#tpu.dimension_semantics<arbitrary>], iteration_bounds = array<i64: 50>, scalar_prefetch = 0 : i64, scratch_operands = 0 : i64, tpu.core_type = #tpu.core_type<tc>, window_params = [{transform_indices = @transform_0, window_bounds = array<i64: 2000, 128>}, {pipeline_mode = #tpu.pipeline_mode<synchronous>, transform_indices = @transform_1, window_bounds = array<i64: 128, 128>}, {pipeline_mode = #tpu.pipeline_mode<synchronous>, transform_indices = @transform_2, window_bounds = array<i64: 1, 128>}, {pipeline_mode = #tpu.pipeline_mode<synchronous>, transform_indices = @transform_3, window_bounds = array<i64: 128, 128>}, {pipeline_mode = #tpu.pipeline_mode<synchronous>, transform_indices = @transform_4, window_bounds = array<i64: 1, 128>}, {transform_indices = @transform_5, window_bounds = array<i64: 2000, 128>}]} {
    %get3A = arith.constant 0 : index
    %get3A_0 = arith.constant 0 : index
    %get3A_1 = vector.load %arg1[%get3A, %get3A_0] : memref<2000x128xf32, #tpu.memory_space<vmem>>, vector<2000x128xf32>
    %get3A_2 = arith.constant 0 : index
    %get3A_3 = arith.constant 0 : index
    %get3A_4 = vector.load %arg2[%get3A_2, %get3A_3] : memref<128x128xf32, #tpu.memory_space<vmem>>, vector<128x128xf32>
    %dot_general3A = arith.constant dense<0.000000e+00> : vector<2000x128xf32>
    %dot_general3A_5 = tpu.matmul %get3A_1, %get3A_4, %dot_general3A {dimension_numbers = #tpu.dot_dimension_numbers<[1], [0], [0], [1], [0, 0, 1, 1], [], []>, transpose_lhs_hint = false} : vector<2000x128xf32>, vector<128x128xf32>, vector<2000x128xf32> -> vector<2000x128xf32>
    %get3A_6 = arith.constant 0 : index
    %get3A_7 = arith.constant 0 : index
    %get3A_8 = vector.load %arg3[%get3A_6, %get3A_7] : memref<1x128xf32, #tpu.memory_space<vmem>>, vector<1x128xf32>
    %add3A = vector.broadcast %get3A_8 : vector<1x128xf32> to vector<2000x128xf32>
    %add3A_9 = arith.addf %dot_general3A_5, %add3A : vector<2000x128xf32>
    %max3A = arith.constant 0.000000e+00 : f32
    %max3A_10 = vector.broadcast %max3A : f32 to vector<2000x128xf32>
    %max3A_11 = arith.maximumf %add3A_9, %max3A_10 : vector<2000x128xf32>
    %get3A_12 = arith.constant 0 : index
    %get3A_13 = arith.constant 0 : index
    %get3A_14 = vector.load %arg4[%get3A_12, %get3A_13] : memref<128x128xf32, #tpu.memory_space<vmem>>, vector<128x128xf32>
    %dot_general3A_15 = arith.constant dense<0.000000e+00> : vector<2000x128xf32>
    %dot_general3A_16 = tpu.matmul %max3A_11, %get3A_14, %dot_general3A_15 {dimension_numbers = #tpu.dot_dimension_numbers<[1], [0], [0], [1], [0, 0, 1, 1], [], []>, transpose_lhs_hint = false} : vector<2000x128xf32>, vector<128x128xf32>, vector<2000x128xf32> -> vector<2000x128xf32>
    %add3A_17 = arith.addf %get3A_1, %dot_general3A_16 : vector<2000x128xf32>
    %get3A_18 = arith.constant 0 : index
    %get3A_19 = arith.constant 0 : index
    %get3A_20 = vector.load %arg5[%get3A_18, %get3A_19] : memref<1x128xf32, #tpu.memory_space<vmem>>, vector<1x128xf32>
    %add3A_21 = vector.broadcast %get3A_20 : vector<1x128xf32> to vector<2000x128xf32>
    %add3A_22 = arith.addf %add3A_17, %add3A_21 : vector<2000x128xf32>
    %swap3A = arith.constant 0 : index
    %swap3A_23 = arith.constant 0 : index
    %swap3A_24 = vector.load %arg6[%swap3A, %swap3A_23] : memref<2000x128xf32, #tpu.memory_space<vmem>>, vector<2000x128xf32>
    tpu.vector_store %arg6[%swap3A, %swap3A_23], %add3A_22 {strides = array<i32>} : memref<2000x128xf32, #tpu.memory_space<vmem>>, vector<2000x128xf32>,
    return
  }
  func.func @transform_0(%arg0: i32) -> (i32, i32) {
    %c0_i32 = arith.constant 0 : i32
    %c0_i32_0 = arith.constant 0 : i32
    return %arg0, %c0_i32 : i32, i32
  }
  func.func @transform_1(%arg0: i32) -> (i32, i32) {
    %c0_i32 = arith.constant 0 : i32
    %c0_i32_0 = arith.constant 0 : i32
    %c0_i32_1 = arith.constant 0 : i32
    return %c0_i32, %c0_i32_0 : i32, i32
  }
  func.func @transform_2(%arg0: i32) -> (i32, i32) {
    %c0_i32 = arith.constant 0 : i32
    %c0_i32_0 = arith.constant 0 : i32
    %c0_i32_1 = arith.constant 0 : i32
    return %c0_i32, %c0_i32_0 : i32, i32
  }
  func.func @transform_3(%arg0: i32) -> (i32, i32) {
    %c0_i32 = arith.constant 0 : i32
    %c0_i32_0 = arith.constant 0 : i32
    %c0_i32_1 = arith.constant 0 : i32
    return %c0_i32, %c0_i32_0 : i32, i32
  }
  func.func @transform_4(%arg0: i32) -> (i32, i32) {
    %c0_i32 = arith.constant 0 : i32
    %c0_i32_0 = arith.constant 0 : i32
    %c0_i32_1 = arith.constant 0 : i32
    return %c0_i32, %c0_i32_0 : i32, i32
  }
  func.func @transform_5(%arg0: i32) -> (i32, i32) {
    %c0_i32 = arith.constant 0 : i32
    %c0_i32_0 = arith.constant 0 : i32
    return %arg0, %c0_i32 : i32, i32
  }
}

module attributes {stable_mosaic.version = 14 : i64} {
  func.func @_binary_body(%arg0: i32, %arg1: memref<600000x128xf32, #tpu.memory_space<any>>, %arg2: memref<2000x128xf32, #tpu.memory_space<vmem>>, %arg3: memref<256x256xf32, #tpu.memory_space<vmem>>, %arg4: memref<1x256xf32, #tpu.memory_space<vmem>>, %arg5: memref<256x256xf32, #tpu.memory_space<vmem>>, %arg6: memref<1x256xf32, #tpu.memory_space<vmem>>, %arg7: memref<2000x128xf32, #tpu.memory_space<vmem>>) attributes {dimension_semantics = [#tpu.dimension_semantics<arbitrary>], iteration_bounds = array<i64: 200>, scalar_prefetch = 0 : i64, scratch_operands = 0 : i64, tpu.core_type = #tpu.core_type<tc>, window_params = [{}, {transform_indices = @transform_1, window_bounds = array<i64: 2000, 128>}, {pipeline_mode = #tpu.pipeline_mode<synchronous>, transform_indices = @transform_2, window_bounds = array<i64: 256, 256>}, {pipeline_mode = #tpu.pipeline_mode<synchronous>, transform_indices = @transform_3, window_bounds = array<i64: 1, 256>}, {pipeline_mode = #tpu.pipeline_mode<synchronous>, transform_indices = @transform_4, window_bounds = array<i64: 256, 256>}, {pipeline_mode = #tpu.pipeline_mode<synchronous>, transform_indices = @transform_5, window_bounds = array<i64: 1, 256>}, {transform_indices = @transform_6, window_bounds = array<i64: 2000, 128>}]} {
    %get3A = arith.constant 0 : index
    %get3A_0 = arith.constant 0 : index
    %get3A_1 = vector.load %arg2[%get3A, %get3A_0] : memref<2000x128xf32, #tpu.memory_space<vmem>>, vector<2000x128xf32>
    %reshape3A = vector.shape_cast %get3A_1 : vector<2000x128xf32> to vector<1000x256xf32>
    %get3A_2 = arith.constant 0 : index
    %get3A_3 = arith.constant 0 : index
    %get3A_4 = vector.load %arg3[%get3A_2, %get3A_3] : memref<256x256xf32, #tpu.memory_space<vmem>>, vector<256x256xf32>
    %dot_general3A = arith.constant dense<0.000000e+00> : vector<1000x256xf32>
    %dot_general3A_5 = tpu.matmul %reshape3A, %get3A_4, %dot_general3A {dimension_numbers = #tpu.dot_dimension_numbers<[1], [0], [0], [1], [0, 0, 1, 1], [], []>, transpose_lhs_hint = false} : vector<1000x256xf32>, vector<256x256xf32>, vector<1000x256xf32> -> vector<1000x256xf32>
    %get3A_6 = arith.constant 0 : index
    %get3A_7 = arith.constant 0 : index
    %get3A_8 = vector.load %arg4[%get3A_6, %get3A_7] : memref<1x256xf32, #tpu.memory_space<vmem>>, vector<1x256xf32>
    %add3A = vector.broadcast %get3A_8 : vector<1x256xf32> to vector<1000x256xf32>
    %add3A_9 = arith.addf %dot_general3A_5, %add3A : vector<1000x256xf32>
    %max3A = arith.constant 0.000000e+00 : f32
    %max3A_10 = vector.broadcast %max3A : f32 to vector<1000x256xf32>
    %max3A_11 = arith.maximumf %add3A_9, %max3A_10 : vector<1000x256xf32>
    %get3A_12 = arith.constant 0 : index
    %get3A_13 = arith.constant 0 : index
    %get3A_14 = vector.load %arg5[%get3A_12, %get3A_13] : memref<256x256xf32, #tpu.memory_space<vmem>>, vector<256x256xf32>
    %dot_general3A_15 = arith.constant dense<0.000000e+00> : vector<1000x256xf32>
    %dot_general3A_16 = tpu.matmul %max3A_11, %get3A_14, %dot_general3A_15 {dimension_numbers = #tpu.dot_dimension_numbers<[1], [0], [0], [1], [0, 0, 1, 1], [], []>, transpose_lhs_hint = false} : vector<1000x256xf32>, vector<256x256xf32>, vector<1000x256xf32> -> vector<1000x256xf32>
    %add3A_17 = arith.addf %reshape3A, %dot_general3A_16 : vector<1000x256xf32>
    %get3A_18 = arith.constant 0 : index
    %get3A_19 = arith.constant 0 : index
    %get3A_20 = vector.load %arg6[%get3A_18, %get3A_19] : memref<1x256xf32, #tpu.memory_space<vmem>>, vector<1x256xf32>
    %add3A_21 = vector.broadcast %get3A_20 : vector<1x256xf32> to vector<1000x256xf32>
    %add3A_22 = arith.addf %add3A_17, %add3A_21 : vector<1000x256xf32>
    %reshape3A_23 = vector.shape_cast %add3A_22 : vector<1000x256xf32> to vector<2000x128xf32>
    %swap3A = arith.constant 0 : index
    %swap3A_24 = arith.constant 0 : index
    %swap3A_25 = vector.load %arg7[%swap3A, %swap3A_24] : memref<2000x128xf32, #tpu.memory_space<vmem>>, vector<2000x128xf32>
    tpu.vector_store %arg7[%swap3A, %swap3A_24], %reshape3A_23 {strides = array<i32>} : memref<2000x128xf32, #tpu.memory_space<vmem>>, vector<2000x128xf32>,
    return
  }
  func.func @transform_1(%arg0: i32) -> (i32, i32) {
    %c0_i32 = arith.constant 0 : i32
    %c0_i32_0 = arith.constant 0 : i32
    return %arg0, %c0_i32 : i32, i32
  }
  func.func @transform_2(%arg0: i32) -> (i32, i32) {
    %c0_i32 = arith.constant 0 : i32
    %c0_i32_0 = arith.constant 0 : i32
    %c0_i32_1 = arith.constant 0 : i32
    return %c0_i32, %c0_i32_0 : i32, i32
  }
  func.func @transform_3(%arg0: i32) -> (i32, i32) {
    %c0_i32 = arith.constant 0 : i32
    %c0_i32_0 = arith.constant 0 : i32
    %c0_i32_1 = arith.constant 0 : i32
    return %c0_i32, %c0_i32_0 : i32, i32
  }
  func.func @transform_4(%arg0: i32) -> (i32, i32) {
    %c0_i32 = arith.constant 0 : i32
    %c0_i32_0 = arith.constant 0 : i32
    %c0_i32_1 = arith.constant 0 : i32
    return %c0_i32, %c0_i32_0 : i32, i32
  }
  func.func @transform_5(%arg0: i32) -> (i32, i32) {
    %c0_i32 = arith.constant 0 : i32
    %c0_i32_0 = arith.constant 0 : i32
    %c0_i32_1 = arith.constant 0 : i32
    return %c0_i32, %c0_i32_0 : i32, i32
  }
  func.func @transform_6(%arg0: i32) -> (i32, i32) {
    %add3A = arith.constant 100 : i32
    %add3A_0 = arith.addi %arg0, %add3A : i32
    %c0_i32 = arith.constant 0 : i32
    %c0_i32_1 = arith.constant 0 : i32
    return %add3A_0, %c0_i32 : i32, i32
  }
}

</mosaic_0001>

<sc_bundles>
// kernel: kernel.5.cloned.1.call-start
scs
__scs_entry_jumppad:
0x0: {  	(pc) =	sbr.rel $0x88, $3  }
0x1: {  	(tag) =	ssettag $0x0;
	lr =	simm.s32 $0x1  }
0x2: {  	[smem:$0x3F96] =	sst lr;
	_ =	strace $0xD0000000  }
0x3: {  	_ = 	snop  }
0x4: {  	_ = 	snop  }
0x5: {  	_ = 	snop  }
0x6: {  	_ = 	snop  }
0x7: {  	_ = 	snop  }
__scs_overlays_trampoline_lowered:
0x8: {  	[smem:$0x3FA5] =	sst s0  }
0x9: {  	[smem:$0x3FA6] =	sst s1  }
0xa: {  	[smem:$0x3FA7] =	sst s2  }
0xb: {  	[smem:$0x3FA8] =	sst s3  }
0xc: {  	[smem:$0x3FA9] =	sst s4  }
0xd: {  	[smem:$0x3FAA] =	sst s5  }
0xe: {  	[smem:$0x3FAB] =	sst s6  }
0xf: {  	[smem:$0x3FAC] =	sst s7  }
0x10: {  	[smem:$0x3FAD] =	sst s8  }
0x11: {  	[smem:$0x3FAE] =	sst s9;
	s0 =	simm.s32 @!p0 $0x0  }
0x12: {  	s1 =	sld [smem:$0x3F94];
	s0 =	simm.s32 @p0 $0x1  }
0x13: {  	[smem:$0x3FAF] =	sst s0;
	s0 =	simm.s32 @!p1 $0x0  }
0x14: {  	s2 =	sld [smem:$0x3F93];
	s0 =	simm.s32 @p1 $0x1  }
0x15: {  	[smem:$0x3FB0] =	sst s0;
	s0 =	simm.s32 @!p2 $0x0  }
0x16: {  	s3 =	sld [smem:$0x3FDB];
	s0 =	simm.s32 @p2 $0x1  }
0x17: {  	s4 =	simm.s32 $0x1BF5;
	[smem:$0x3FB2] =	sst s0  }
0x18: {  	s0 =	sld [smem:$0x3F95];
	_ =	swait.ge [sflag:s4], $0x0  }
0x19: {  	s7 =	sld [smem:$0x3F96]  }
0x1a: {  	s8 =	sadd.s32 $0xFFFFE003, lr  }
0x1b: {  	s9 =	sadd.s32 $0xFFFFFEF7, lr;
	s5 =	simm.s32 $0xFFFFFFFF;
	p2 =	slt.u32 s8, $0xFFFFF086  }
0x1c: {  	p1 =	slt.u32 s9, $0xF7A;
	s5 =	simm.s32 @!p2 $0x0  }
0x1d: {  	s5 =	simm.s32 @p1 $0x1;
	p0 =	seq.s32 s7, s2  }
0x1e: {  	s7 =	smul.u32 @!p0 $0xF7A, s2;
	p2 =	seq.s32 @!p0 s5, $0x0  }
0x1f: {  	s9 =	smul.u32 $0xF7A, s1;
	s8 =	simm.s32 @!p0 $0x1BF5;
	p2 =	por !p2, p0  }
0x20: {  	[sflag:s8] =	ssyncset.s32 @!p0 $0xFFFFF086;
	s6 =	sadd.s32 @!p0 s3, s7;
	s7 =	simm.s32 @!p0 $0x108  }
0x21: {  	s3 =	sadd.s32 s3, s9;
	s6 =	sadd.s32 @!p0 $0x88, s6;
	s7 =	simm.s32 @p2 $0x1082  }
0x22: {  	[simem:s7], [sflag:s8] =	dma.local @!p0 [hbm:s6], $0xF7A  }
0x23: {  	s9 =	sor.u32 $0xD0000000, s2;
	s6 =	simm.s32 $0x108;
	_ =	swait.ge @!p0 [sflag:s8], $0x0  }
0x24: {  	s3 =	sadd.s32 $0x88, s3;
	s6 =	simm.s32 @!p1 $0x1082;
	[sflag:s4] =	ssyncset.s32 $0xFFFFF086  }
0x25: {  	[simem:s6], [sflag:s4] =	dma.local [hbm:s3], $0xF7A  }
0x26: {  	[smem:$0x3F96] =	sst s1;
	(tag) =	ssettag s2;
	_ =	strace s9  }
0x27: {  	s1 =	sld [smem:$0x3FA6]  }
0x28: {  	s2 =	sld [smem:$0x3FA7]  }
0x29: {  	s4 =	sld [smem:$0x3FA9]  }
0x2a: {  	p0 =	seq.s32 s5, $0x0;
	s5 =	sld [smem:$0x3FAA]  }
0x2b: {  	s6 =	sld [smem:$0x3FAB]  }
0x2c: {  	s7 =	sld [smem:$0x3FAC]  }
0x2d: {  	s3 =	simm.s32 $0x108;
	s8 =	sld [smem:$0x3FAD]  }
0x2e: {  	s3 =	simm.s32 @!p0 $0x1082;
	s9 =	sld [smem:$0x3FAE]  }
0x2f: {  	lr =	sadd.s32 s0, s3;
	s0 =	sld [smem:$0x3FA5]  }
0x30: {  	s3 =	sld [smem:$0x3FA8]  }
0x31: {  	[smem:$0x3FB1] =	sst s10  }
0x32: {  	s10 =	sld [smem:$0x3FAF];
	_ =	sdelay $0x3  }
0x33: {  	p0 =	seq.s32 s10, $0x1;
	s10 =	sld [smem:$0x3FB1];
	_ =	sdelay $0x3  }
0x34: {  	[smem:$0x3FB1] =	sst s10  }
0x35: {  	s10 =	sld [smem:$0x3FB0];
	_ =	sdelay $0x3  }
0x36: {  	p1 =	seq.s32 s10, $0x1;
	s10 =	sld [smem:$0x3FB1];
	_ =	sdelay $0x3  }
0x37: {  	[smem:$0x3FB1] =	sst s10  }
0x38: {  	s10 =	sld [smem:$0x3FB2]  }
0x39: {  	_ = 	snop;
	(pc) =	sbr.ind lr, $3  }
0x3a: {  	_ = 	snop  }
0x3b: {  	_ = 	snop  }
0x3c: {  	p2 =	seq.s32 s10, $0x1;
	s10 =	sld [smem:$0x3FB1]  }
0x3d: {  	_ =	shalt  }
0x3e: {  	_ =	shalt  }
0x3f: {  	_ =	shalt  }
0x40: {  	_ =	shalt  }
0x41: {  	_ =	shalt  }
0x42: {  	_ =	shalt  }
0x43: {  	_ =	shalt  }
0x44: {  	_ =	shalt  }
0x45: {  	_ =	shalt  }
0x46: {  	_ =	shalt  }
0x47: {  	_ =	shalt  }
0x48: {  	_ =	shalt  }
0x49: {  	_ =	shalt  }
0x4a: {  	_ =	shalt  }
0x4b: {  	_ =	shalt  }
0x4c: {  	_ =	shalt  }
0x4d: {  	_ =	shalt  }
0x4e: {  	_ =	shalt  }
0x4f: {  	_ =	shalt  }
0x50: {  	_ =	shalt  }
0x51: {  	_ =	shalt  }
0x52: {  	_ =	shalt  }
0x53: {  	_ =	shalt  }
0x54: {  	_ =	shalt  }
0x55: {  	_ =	shalt  }
0x56: {  	_ =	shalt  }
0x57: {  	_ =	shalt  }
0x58: {  	_ =	shalt  }
0x59: {  	_ =	shalt  }
0x5a: {  	_ =	shalt  }
0x5b: {  	_ =	shalt  }
0x5c: {  	_ =	shalt  }
0x5d: {  	_ =	shalt  }
0x5e: {  	_ =	shalt  }
0x5f: {  	_ =	shalt  }
0x60: {  	_ =	shalt  }
0x61: {  	_ =	shalt  }
0x62: {  	_ =	shalt  }
0x63: {  	_ =	shalt  }
0x64: {  	_ =	shalt  }
0x65: {  	_ =	shalt  }
0x66: {  	_ =	shalt  }
0x67: {  	_ =	shalt  }
0x68: {  	_ =	shalt  }
0x69: {  	_ =	shalt  }
0x6a: {  	_ =	shalt  }
0x6b: {  	_ =	shalt  }
0x6c: {  	_ =	shalt  }
0x6d: {  	_ =	shalt  }
0x6e: {  	_ =	shalt  }
0x6f: {  	_ =	shalt  }
0x70: {  	_ =	shalt  }
0x71: {  	_ =	shalt  }
0x72: {  	_ =	shalt  }
0x73: {  	_ =	shalt  }
0x74: {  	_ =	shalt  }
0x75: {  	_ =	shalt  }
0x76: {  	_ =	shalt  }
0x77: {  	_ =	shalt  }
0x78: {  	_ =	shalt  }
0x79: {  	_ =	shalt  }
0x7a: {  	_ =	shalt  }
0x7b: {  	_ =	shalt  }
0x7c: {  	_ =	shalt  }
0x7d: {  	_ =	shalt  }
0x7e: {  	_ =	shalt  }
0x7f: {  	_ =	shalt  }
0x80: {  	_ =	shalt  }
0x81: {  	_ =	shalt  }
0x82: {  	_ =	shalt  }
0x83: {  	_ =	shalt  }
0x84: {  	_ =	shalt  }
0x85: {  	_ =	shalt  }
0x86: {  	_ =	shalt  }
0x87: {  	_ =	shalt  }
.Lfunc_end0:
.L_simem_size_0:
called_computation_lowered:
.L_overlay_start_0:
0x88: {  	s2 =	sld [smem:$0x3FD9]  }
0x89: {  	s3 =	sld [smem:$0x3FFE];
	_ =	sdelay $0x1  }
0x8a: {  	s1 =	srdreg.scid  }
0x8b: {  	s0 =	sand.u32 $0x1, s1  }
0x8c: {  	s14 =	sshll.u32 s0, $0xA;
	s2 =	sadd.s32 s3, s2  }
0x8d: {  	s2 =	sadd.s32 s2, s14  }
0x8e: {  	[smem:$0x3FBD] =	sst s2  }
0x8f: {  	_ = 	snop  }
0x90: {  	s2 =	sld [smem:$0x3FD0];
	_ =	sdelay $0x2  }
0x91: {  	s4 =	simm.s32 $0xA;
	s5 =	simm.s32 $0x10;
	s15 =	sld [smem:$0x3FC9]  }
0x92: {  	[smem:s5], [sflag:s4] =	dma.local [hbm:s2], $0x1  }
0x93: {  	_ =	swait.eq [sflag:s4], $0x1  }
0x94: {  	[sflag:s4] =	ssyncset.done $0x0  }
0x95: {  	[sflag:s4] =	ssyncadd.s32 $0xFFFFFFFF  }
0x96: {  	s16 =	sld [smem:$0x10];
	(tm) =	ssettm $0x1  }
0x97: {  	s17 =	sld [smem:$0x3FFB];
	_ =	sdelay $0x3  }
0x98: {  	_ =	strace s17  }
0x99: {  	s4 =	sld [smem:$0x3FFC];
	_ =	sdelay $0x3  }
0x9a: {  	_ =	strace s4  }
0x9b: {  	s4 =	sld [smem:$0x3FFD];
	_ =	sdelay $0x3  }
0x9c: {  	_ =	strace s4  }
0x9d: {  	_ =	strace $0x8FFFFFFF  }
0x9e: {  	s18 =	sld [smem:$0x3FDB];
	_ =	sdelay $0x1  }
0x9f: {  	s19 =	simm.s32 $_scs_section_size  }
0xa0: {  	s6 =	simm.s32 $_size__tile_overlayer_lowered;
	s7 =	simm.s32 $_tile_overlayer_lowered  }
0xa1: {  	s22 =	simm.s32 $0x1BFF;
	s21 =	sshll.u32 s7, $0x1;
	s4 =	sadd.s32 s19, s18  }
0xa2: {  	s8 =	simm.s32 $0x0;
	s20 =	sshll.u32 s6, $0x1;
	s6 =	sadd.s32 s21, s4  }
0xa3: {  	[timem:s8], [sflag:s22] =	dma.local [hbm:s6], s20  }
0xa4: {  	_ =	swait.ge [sflag:s22], s20  }
0xa5: {  	s5 =	ssub.s32 $0x0, s20;
	[sflag:s22] =	ssyncset.done $0x0  }
0xa6: {  	[sflag:s22] =	ssyncadd.s32 s5;
	_ =	sdelay $0x1  }
0xa7: {  	s23 =	simm.s32 $0x1B8B  }
0xa8: {  	_ =	swait.ge [sflag:s23], $0x1  }
0xa9: {  	[sflag:s23] =	ssyncset.done $0x0  }
0xaa: {  	s25 =	simm.s32 $0x1B8E;
	s24 =	sld [smem:$0x3FFE];
	[sflag:s23] =	ssyncadd.s32 $0xFFFFFFFF  }
0xab: {  	s26 =	simm.s32 $execute0_lowered;
	[smem:$0x3FD2] =	sst s25  }
0xac: {  	s6 =	sshll.u32 s26, $0x1;
	_ =	strace $0x80000046;
	[dreg:$0x1] =	wrdreg $0xFFFFFFFF  }
0xad: {  	s28 =	simm.s32 $_size_execute0_lowered;
	s4 =	sadd.s32 s4, s6;
	[dreg:$0x0] =	wrdreg $0x0  }
0xae: {  	s6 =	sshll.u32 s28, $0x1;
	[dreg:$0x2] =	wrdreg s4  }
0xaf: {  	[dreg:$0x3] =	wrdreg s6  }
0xb0: {  	[dreg:$0x4] =	wrdreg $0xC0  }
0xb1: {  	_ =	task [dreg:s8], $0x5FFFF  }
0xb2: {  	[dreg:$0x1] =	wrdreg $0xFFFFFFFF  }
0xb3: {  	[dreg:$0x0] =	wrdreg $0x60  }
0xb4: {  	[dreg:$0x2] =	wrdreg s15  }
0xb5: {  	[dreg:$0x3] =	wrdreg s24  }
0xb6: {  	[dreg:$0x4] =	wrdreg s16  }
0xb7: {  	[dreg:$0x5] =	wrdreg $0x9  }
0xb8: {  	_ =	task.clear_ibuf [dreg:s8], $0x6FFFF;
	_ =	strace $0x90000046  }
0xb9: {  	s29 =	simm.s32 $0x9;
	_ =	strace $0x80000048  }
0xba: {  	_ =	swait.ge [sflag:s29], $0x1  }
0xbb: {  	[sflag:s29] =	ssyncadd.s32 $0xFFFFFFFF  }
0xbc: {  	_ =	strace $0x90000048  }
0xbd: {  	_ =	sfence  }
0xbe: {  	s30 =	sld [smem:$0x0];
	_ =	sdelay $0x2  }
0xbf: {  	s31 =	sshll.u32 s1, $0xD;
	s1 =	sshrl.u32 s1, $0x2  }
0xc0: {  	s3 =	sand.u32 $0x4000, s31;
	s1 =	sadd.s32 s1, s30  }
0xc1: {  	s0 =	sor.u32 s3, s0;
	s1 =	sshll.u32 s1, $0x11  }
0xc2: {  	s0 =	sor.u32 s1, s0  }
0xc3: {  	s0 =	sadd.s32 $0x8F2B, s0  }
0xc4: {  	[sflag:s0] =	ssyncadd.remote.s32 $0x1  }
0xc5: {  	_ =	sfence.sel $0xFFFF  }
0xc6: {  	[dreg:$0x0] =	wrdreg $0xFFFFFFFF;
	(pc) =	sbr.abs _section_cstart, $3  }
0xc7: {  	[dreg:$0x1] =	wrdreg $0xFFFFFFFF  }
0xc8: {  	_ =	task.clear_ibuf [dreg:s8], $0x2FFFF;
	_ =	strace $0x9FFFFFFF  }
0xc9: {  	(tm) =	ssettm $0x7FFFFFFF  }
tec
execute0_lowered:
.L_overlay_start_1:
0x0: {  	(tag) =	ssettag $0x1  }
0x1: {  	s1 =	rddreg [dreg:$0x0]  }
0x2: {  	s0 =	rddreg [dreg:$0x1]  }
0x3: {  	s2 =	rddreg [dreg:$0x2]  }
0x4: {  	s3 =	simm.s32 $0x0;
	s4 =	srdreg.scid;
	s19 =	stileid.u32  }
0x5: {  	s28 =	simm.s32 $0x1C0;
	s29 =	simm.s32 $0x400;
	s30 =	simm.s32 $0x200  }
0x6: {  	s5 =	sand.u32 $0x1, s4;
	s6 =	sshll.u32 s19, $0x1;
	s24 =	smul.u32 $0x70, s19  }
0x7: {  	[smem:$0x7FF] =	sst s3;
	s26 =	smul.u32 $0x3800, s19;
	s6 =	sor.u32 s5, s6  }
0x8: {  	s4 =	sadd.s32 $0x14200, s0;
	s7 =	sadd.s32 $0xE000, s0;
	s9 =	smul.u32 $0x38, s6  }
0x9: {  	s8 =	sadd.s32 $0x1C00, s0;
	s10 =	sor.u32 $0x20, s6;
	s18 =	smul.u32 $0x1C00, s6  }
0xa: {  	s0 =	sadd.s32 $0x19AC00, s0;
	s14 =	sor.u32 $0x40, s6;
	s12 =	smul.u32 $0x38, s10  }
0xb: {  	s31 =	simm.s32 $0x3;
	_ =	strace $0x80000047;
	s17 =	smul.u32 $0x38, s14  }
0xc: {  	s11 =	ssub.s32 $0x2, s5;
	s20 =	sor.u32 $0x1A0, s6;
	s10 =	smul.u32 $0x1C00, s10  }
0xd: {  	s13 =	sshrl.u32 s11, $0x1;
	s6 =	sor.u32 $0x360, s6;
	s22 =	smul.u32 $0x38, s20  }
0xe: {  	s11 =	ssub.s32 s11, s13;
	s15 =	smul.u32 $0x38, s6;
	s16 =	sadd.s32 s7, s9  }
0xf: {  	s25 =	smul.u32 $0x1C00, s20;
	s9 =	sadd.s32 s8, s9;
	[dreg:$0x4] =	wrdreg s16  }
0x10: {  	s6 =	smul.u32 $0x1C00, s6;
	s21 =	smax.u32 s11, $0x1;
	[dreg:$0x5] =	wrdreg s9  }
0x11: {  	[dreg:$0x6] =	wrdreg s21;
	s23 =	sadd.s32 s7, s12;
	s9 =	sadd.s32 s2, s18  }
0x12: {  	s16 =	sadd.s32 s7, s17;
	s12 =	sadd.s32 s8, s12;
	s13 =	sadd.s32 s8, s17  }
0x13: {  	s11 =	sadd.s32 s7, s22;
	s14 =	sadd.s32 s8, s15;
	s7 =	sadd.s32 s24, s7  }
0x14: {  	s17 =	smul.u32 $0x38, s5;
	s8 =	sadd.s32 s24, s8;
	s15 =	sadd.s32 s2, s10  }
0x15: {  	s18 =	sadd.s32 s0, s18;
	s19 =	sadd.s32 s0, s10;
	[dreg:$0x7] =	wrdreg s23  }
0x16: {  	s5 =	smul.u32 $0x1C00, s5;
	s20 =	sadd.s32 s2, s25;
	[dreg:$0x8] =	wrdreg s16  }
0x17: {  	s21 =	sadd.s32 s0, s6;
	s2 =	sadd.s32 s26, s2;
	[dreg:$0x9] =	wrdreg s12  }
0x18: {  	s0 =	sadd.s32 s26, s0;
	s26 =	simm.s32 $0x1;
	[dreg:$0xa] =	wrdreg s13  }
0x19: {  	s6 =	simm.s32 $0x5;
	[dreg:$0xb] =	wrdreg s11;
	s22 =	sadd.s32 $0x2A0000, s9  }
0x1a: {  	s23 =	sadd.s32 $0x5B0000, s18;
	s16 =	sadd.s32 s17, s7;
	s17 =	sadd.s32 s17, s8  }
0x1b: {  	s2 =	sadd.s32 s5, s2;
	s0 =	sadd.s32 s5, s0;
	s5 =	simm.s32 $0x4  }
0x1c: {  	s7 =	simm.s32 $0x6;
	s8 =	simm.s32 $0x0;
	s24 =	sadd.s32 $0x70000, s2  }
0x1d: {  	s25 =	sadd.s32 $0x70000, s0;
	s0 =	simm.s32 $0x2;
	s2 =	simm.s32 $0xE400  }
.LBB2_1:
0x1e: {  	s10 =	rddreg [dreg:$0x4]  }
0x1f: {  	[tilespmem:s3], [sflag:$0x1] =	stream.linear.gather [hbm4b:s10+s3], $0x1C0, $0x38;
	[tilespmem:$0x1C400] =	vst v63  }
0x20: {  	_ =	swait.ge [sflag:s26], $0x1C0  }
0x21: {  	[sflag:s26] =	ssyncset.done $0x0  }
0x22: {  	[sflag:s26] =	ssyncadd.s32 $0xFFFFFE40  }
0x23: {  	[tilespmem:s29], [sflag:$0x3] =	stream.indirect.gather [hbm4b:s4+s28], $0x80, s3, s28, $0xb8;
	[tilespmem:$0x1C400] =	vst v63  }
0x24: {  	s11 =	rddreg [dreg:$0x7]  }
0x25: {  	[tilespmem:s30], [sflag:$0x2] =	stream.linear.gather [hbm4b:s11+s3], $0x1C0, $0x38;
	[tilespmem:$0x1C400] =	vst v63  }
0x26: {  	_ =	swait.ge [sflag:s31], $0xE000  }
0x27: {  	[sflag:s31] =	ssyncset.done $0x0  }
0x28: {  	[sflag:s31] =	ssyncadd.s32 $0xFFFF2000  }
0x29: {  	[hbm4b:s9+s3] =	stream.linear.scatter [tilespmem:s29], [sflag:$0x5], $0xE000, $0x38;
	[tilespmem:$0x1C400] =	vst v63  }
0x2a: {  	_ =	swait.ge [sflag:s0], $0x1C0  }
0x2b: {  	[sflag:s0] =	ssyncset.done $0x0  }
0x2c: {  	[sflag:s0] =	ssyncadd.s32 $0xFFFFFE40  }
0x2d: {  	[tilespmem:s2], [sflag:$0x4] =	stream.indirect.gather [hbm4b:s4+s28], $0x80, s30, s28, $0xb8;
	[tilespmem:$0x1C400] =	vst v63  }
0x2e: {  	s12 =	rddreg [dreg:$0x8]  }
0x2f: {  	[tilespmem:s3], [sflag:$0x1] =	stream.linear.gather [hbm4b:s12+s3], $0x1C0, $0x38;
	[tilespmem:$0x1C400] =	vst v63  }
0x30: {  	_ =	swait.ge [sflag:s5], $0xE000  }
0x31: {  	[sflag:s5] =	ssyncset.done $0x0  }
0x32: {  	[sflag:s5] =	ssyncadd.s32 $0xFFFF2000  }
0x33: {  	[hbm4b:s15+s3] =	stream.linear.scatter [tilespmem:s2], [sflag:$0x6], $0xE000, $0x38;
	[tilespmem:$0x1C400] =	vst v63  }
0x34: {  	_ =	swait.ge [sflag:s6], $0xE000  }
0x35: {  	[sflag:s6] =	ssyncset.done $0x0  }
0x36: {  	[sflag:s6] =	ssyncadd.s32 $0xFFFF2000  }
0x37: {  	_ =	swait.ge [sflag:s26], $0x1C0  }
0x38: {  	[sflag:s26] =	ssyncset.done $0x0  }
0x39: {  	s13 =	sadd.s32 $0x0, s16;
	[sflag:s26] =	ssyncadd.s32 $0xFFFFFE40  }
0x3a: {  	[tilespmem:s29], [sflag:$0x3] =	stream.indirect.gather [hbm4b:s4+s28], $0x80, s3, s28, $0xb8;
	[tilespmem:$0x1C400] =	vst v63  }
0x3b: {  	s11 =	sadd.s32 $0x1500, s13  }
0x3c: {  	[tilespmem:s30], [sflag:$0x2] =	stream.linear.gather [hbm4b:s11+s3], $0x1C0, $0x38;
	[tilespmem:$0x1C400] =	vst v63  }
0x3d: {  	_ =	swait.ge [sflag:s31], $0xE000  }
0x3e: {  	[sflag:s31] =	ssyncset.done $0x0  }
0x3f: {  	[sflag:s31] =	ssyncadd.s32 $0xFFFF2000  }
0x40: {  	[hbm4b:s24+s3] =	stream.linear.scatter [tilespmem:s29], [sflag:$0x5], $0xE000, $0x38;
	[tilespmem:$0x1C400] =	vst v63  }
0x41: {  	_ =	swait.ge [sflag:s7], $0xE000  }
0x42: {  	[sflag:s7] =	ssyncset.done $0x0  }
0x43: {  	[sflag:s7] =	ssyncadd.s32 $0xFFFF2000  }
0x44: {  	_ =	swait.ge [sflag:s0], $0x1C0  }
0x45: {  	[sflag:s0] =	ssyncset.done $0x0  }
0x46: {  	[sflag:s0] =	ssyncadd.s32 $0xFFFFFE40  }
0x47: {  	[tilespmem:s2], [sflag:$0x4] =	stream.indirect.gather [hbm4b:s4+s28], $0x80, s30, s28, $0xb8;
	[tilespmem:$0x1C400] =	vst v63  }
0x48: {  	s10 =	sadd.s32 $0x1C00, s13  }
0x49: {  	[tilespmem:s3], [sflag:$0x1] =	stream.linear.gather [hbm4b:s10+s3], $0x1C0, $0x38;
	[tilespmem:$0x1C400] =	vst v63  }
0x4a: {  	_ =	swait.ge [sflag:s5], $0xE000  }
0x4b: {  	s12 =	sadd.s32 $0x38000, s24;
	[sflag:s5] =	ssyncset.done $0x0  }
0x4c: {  	s11 =	sadd.s32 $0x70000, s24;
	s10 =	simm.s32 $0xE00;
	[sflag:s5] =	ssyncadd.s32 $0xFFFF2000  }
.LBB2_2:
0x4d: {  	[hbm4b:s12+s3] =	stream.linear.scatter [tilespmem:s2], [sflag:$0x6], $0xE000, $0x38;
	[tilespmem:$0x1C400] =	vst v63  }
0x4e: {  	s12 =	smov.u32 s10  }
0x4f: {  	p0 =	sne.s32 s10, $0x3800;
	s10 =	sadd.s32 $0xE00, s10;
	_ =	swait.ge [sflag:s6], $0xE000  }
0x50: {  	[sflag:s6] =	ssyncset.done $0x0  }
0x51: {  	[sflag:s6] =	ssyncadd.s32 $0xFFFF2000  }
0x52: {  	_ =	swait.ge [sflag:s26], $0x1C0  }
0x53: {  	[sflag:s26] =	ssyncset.done $0x0  }
0x54: {  	s12 =	sadd.s32 s12, s16;
	[sflag:s26] =	ssyncadd.s32 $0xFFFFFE40  }
0x55: {  	[tilespmem:s29], [sflag:$0x3] =	stream.indirect.gather [hbm4b:s4+s28], $0x80, s3, s28, $0xb8;
	[tilespmem:$0x1C400] =	vst v63  }
0x56: {  	s13 =	sadd.s32 $0x1500, s12  }
0x57: {  	[tilespmem:s30], [sflag:$0x2] =	stream.linear.gather [hbm4b:s13+s3], $0x1C0, $0x38;
	[tilespmem:$0x1C400] =	vst v63  }
0x58: {  	_ =	swait.ge [sflag:s31], $0xE000  }
0x59: {  	[sflag:s31] =	ssyncset.done $0x0  }
0x5a: {  	[sflag:s31] =	ssyncadd.s32 $0xFFFF2000  }
0x5b: {  	[hbm4b:s11+s3] =	stream.linear.scatter [tilespmem:s29], [sflag:$0x5], $0xE000, $0x38;
	[tilespmem:$0x1C400] =	vst v63  }
0x5c: {  	_ =	swait.ge [sflag:s7], $0xE000  }
0x5d: {  	[sflag:s7] =	ssyncset.done $0x0  }
0x5e: {  	[sflag:s7] =	ssyncadd.s32 $0xFFFF2000  }
0x5f: {  	_ =	swait.ge [sflag:s0], $0x1C0  }
0x60: {  	[sflag:s0] =	ssyncset.done $0x0  }
0x61: {  	[sflag:s0] =	ssyncadd.s32 $0xFFFFFE40  }
0x62: {  	[tilespmem:s2], [sflag:$0x4] =	stream.indirect.gather [hbm4b:s4+s28], $0x80, s30, s28, $0xb8;
	[tilespmem:$0x1C400] =	vst v63  }
.Ltmp0:
0x63: {  	s12 =	sadd.s32 $0x1C00, s12;
	(pc) =	sbr.rel @p0 .LBB2_2-.Ltmp0, $4  }
0x64: {  	[tilespmem:s3], [sflag:$0x1] =	stream.linear.gather [hbm4b:s12+s3], $0x1C0, $0x38;
	[tilespmem:$0x1C400] =	vst v63  }
0x65: {  	_ =	swait.ge [sflag:s5], $0xE000  }
0x66: {  	[sflag:s5] =	ssyncset.done $0x0  }
0x67: {  	s12 =	sadd.s32 $0x38000, s11;
	s11 =	sadd.s32 $0x70000, s11;
	[sflag:s5] =	ssyncadd.s32 $0xFFFF2000  }
0x68: {  	[hbm4b:s12+s3] =	stream.linear.scatter [tilespmem:s2], [sflag:$0x6], $0xE000, $0x38;
	[tilespmem:$0x1C400] =	vst v63  }
0x69: {  	_ =	swait.ge [sflag:s6], $0xE000  }
0x6a: {  	[sflag:s6] =	ssyncset.done $0x0  }
0x6b: {  	[sflag:s6] =	ssyncadd.s32 $0xFFFF2000  }
0x6c: {  	_ =	swait.ge [sflag:s26], $0x1C0  }
0x6d: {  	[sflag:s26] =	ssyncset.done $0x0  }
0x6e: {  	s10 =	simm.s32 $0x0;
	[sflag:s26] =	ssyncadd.s32 $0xFFFFFE40  }
0x6f: {  	[tilespmem:s29], [sflag:$0x3] =	stream.indirect.gather [hbm4b:s4+s28], $0x80, s10, s28, $0xb8;
	[tilespmem:$0x1C400] =	vst v63  }
0x70: {  	s11 =	rddreg [dreg:$0xb]  }
0x71: {  	[tilespmem:s30], [sflag:$0x2] =	stream.linear.gather [hbm4b:s11+s10], $0x1C0, $0x38;
	[tilespmem:$0x1C400] =	vst v63  }
0x72: {  	_ =	swait.ge [sflag:s31], $0xE000  }
0x73: {  	[sflag:s31] =	ssyncset.done $0x0  }
0x74: {  	[sflag:s31] =	ssyncadd.s32 $0xFFFF2000  }
0x75: {  	[hbm4b:s22+s10] =	stream.linear.scatter [tilespmem:s29], [sflag:$0x5], $0xE000, $0x38;
	[tilespmem:$0x1C400] =	vst v63  }
0x76: {  	_ =	swait.ge [sflag:s7], $0xE000  }
0x77: {  	[sflag:s7] =	ssyncset.done $0x0  }
0x78: {  	[sflag:s7] =	ssyncadd.s32 $0xFFFF2000  }
0x79: {  	_ =	swait.ge [sflag:s0], $0x1C0  }
0x7a: {  	[sflag:s0] =	ssyncset.done $0x0  }
0x7b: {  	[sflag:s0] =	ssyncadd.s32 $0xFFFFFE40  }
0x7c: {  	[tilespmem:s2], [sflag:$0x4] =	stream.indirect.gather [hbm4b:s4+s28], $0x80, s30, s28, $0xb8;
	[tilespmem:$0x1C400] =	vst v63  }
0x7d: {  	_ =	swait.ge [sflag:s5], $0xE000  }
0x7e: {  	[sflag:s5] =	ssyncset.done $0x0  }
0x7f: {  	[sflag:s5] =	ssyncadd.s32 $0xFFFF2000  }
0x80: {  	[hbm4b:s20+s10] =	stream.linear.scatter [tilespmem:s2], [sflag:$0x6], $0xE000, $0x38;
	[tilespmem:$0x1C400] =	vst v63  }
0x81: {  	_ =	swait.ge [sflag:s6], $0xE000  }
0x82: {  	[sflag:s6] =	ssyncset.done $0x0  }
0x83: {  	[sflag:s6] =	ssyncadd.s32 $0xFFFF2000  }
0x84: {  	_ =	swait.ge [sflag:s7], $0xE000  }
0x85: {  	[sflag:s7] =	ssyncset.done $0x0  }
0x86: {  	s13 =	rddreg [dreg:$0x5];
	[sflag:s7] =	ssyncadd.s32 $0xFFFF2000  }
0x87: {  	[tilespmem:s10], [sflag:$0x1] =	stream.linear.gather [hbm4b:s13+s10], $0x1C0, $0x38;
	[tilespmem:$0x1C400] =	vst v63  }
0x88: {  	_ =	swait.ge [sflag:s26], $0x1C0  }
0x89: {  	[sflag:s26] =	ssyncset.done $0x0  }
0x8a: {  	[sflag:s26] =	ssyncadd.s32 $0xFFFFFE40  }
0x8b: {  	[tilespmem:s29], [sflag:$0x3] =	stream.indirect.gather [hbm4b:s1+s28], $0x80, s10, s28, $0xb8;
	[tilespmem:$0x1C400] =	vst v63  }
0x8c: {  	s12 =	rddreg [dreg:$0x9]  }
0x8d: {  	[tilespmem:s30], [sflag:$0x2] =	stream.linear.gather [hbm4b:s12+s10], $0x1C0, $0x38;
	[tilespmem:$0x1C400] =	vst v63  }
0x8e: {  	_ =	swait.ge [sflag:s31], $0xE000  }
0x8f: {  	[sflag:s31] =	ssyncset.done $0x0  }
0x90: {  	[sflag:s31] =	ssyncadd.s32 $0xFFFF2000  }
0x91: {  	[hbm4b:s18+s10] =	stream.linear.scatter [tilespmem:s29], [sflag:$0x5], $0xE000, $0x38;
	[tilespmem:$0x1C400] =	vst v63  }
0x92: {  	_ =	swait.ge [sflag:s0], $0x1C0  }
0x93: {  	[sflag:s0] =	ssyncset.done $0x0  }
0x94: {  	[sflag:s0] =	ssyncadd.s32 $0xFFFFFE40  }
0x95: {  	[tilespmem:s2], [sflag:$0x4] =	stream.indirect.gather [hbm4b:s1+s28], $0x80, s30, s28, $0xb8;
	[tilespmem:$0x1C400] =	vst v63  }
0x96: {  	s13 =	rddreg [dreg:$0xa]  }
0x97: {  	[tilespmem:s10], [sflag:$0x1] =	stream.linear.gather [hbm4b:s13+s10], $0x1C0, $0x38;
	[tilespmem:$0x1C400] =	vst v63  }
0x98: {  	_ =	swait.ge [sflag:s5], $0xE000  }
0x99: {  	[sflag:s5] =	ssyncset.done $0x0  }
0x9a: {  	[sflag:s5] =	ssyncadd.s32 $0xFFFF2000  }
0x9b: {  	[hbm4b:s19+s10] =	stream.linear.scatter [tilespmem:s2], [sflag:$0x6], $0xE000, $0x38;
	[tilespmem:$0x1C400] =	vst v63  }
0x9c: {  	_ =	swait.ge [sflag:s6], $0xE000  }
0x9d: {  	[sflag:s6] =	ssyncset.done $0x0  }
0x9e: {  	[sflag:s6] =	ssyncadd.s32 $0xFFFF2000  }
0x9f: {  	_ =	swait.ge [sflag:s26], $0x1C0  }
0xa0: {  	[sflag:s26] =	ssyncset.done $0x0  }
0xa1: {  	s12 =	sadd.s32 $0x0, s17;
	[sflag:s26] =	ssyncadd.s32 $0xFFFFFE40  }
0xa2: {  	[tilespmem:s29], [sflag:$0x3] =	stream.indirect.gather [hbm4b:s1+s28], $0x80, s3, s28, $0xb8;
	[tilespmem:$0x1C400] =	vst v63  }
0xa3: {  	s13 =	sadd.s32 $0x1500, s12  }
0xa4: {  	[tilespmem:s30], [sflag:$0x2] =	stream.linear.gather [hbm4b:s13+s3], $0x1C0, $0x38;
	[tilespmem:$0x1C400] =	vst v63  }
0xa5: {  	_ =	swait.ge [sflag:s31], $0xE000  }
0xa6: {  	[sflag:s31] =	ssyncset.done $0x0  }
0xa7: {  	[sflag:s31] =	ssyncadd.s32 $0xFFFF2000  }
0xa8: {  	[hbm4b:s25+s3] =	stream.linear.scatter [tilespmem:s29], [sflag:$0x5], $0xE000, $0x38;
	[tilespmem:$0x1C400] =	vst v63  }
0xa9: {  	_ =	swait.ge [sflag:s7], $0xE000  }
0xaa: {  	[sflag:s7] =	ssyncset.done $0x0  }
0xab: {  	[sflag:s7] =	ssyncadd.s32 $0xFFFF2000  }
0xac: {  	_ =	swait.ge [sflag:s0], $0x1C0  }
0xad: {  	[sflag:s0] =	ssyncset.done $0x0  }
0xae: {  	[sflag:s0] =	ssyncadd.s32 $0xFFFFFE40  }
0xaf: {  	[tilespmem:s2], [sflag:$0x4] =	stream.indirect.gather [hbm4b:s1+s28], $0x80, s30, s28, $0xb8;
	[tilespmem:$0x1C400] =	vst v63  }
0xb0: {  	s10 =	sadd.s32 $0x1C00, s12  }
0xb1: {  	[tilespmem:s3], [sflag:$0x1] =	stream.linear.gather [hbm4b:s10+s3], $0x1C0, $0x38;
	[tilespmem:$0x1C400] =	vst v63  }
0xb2: {  	_ =	swait.ge [sflag:s5], $0xE000  }
0xb3: {  	s11 =	sadd.s32 $0x70000, s25;
	[sflag:s5] =	ssyncset.done $0x0  }
0xb4: {  	s12 =	sadd.s32 $0x38000, s25;
	s10 =	simm.s32 $0xE00;
	[sflag:s5] =	ssyncadd.s32 $0xFFFF2000  }
.LBB2_4:
0xb5: {  	[hbm4b:s12+s3] =	stream.linear.scatter [tilespmem:s2], [sflag:$0x6], $0xE000, $0x38;
	[tilespmem:$0x1C400] =	vst v63  }
0xb6: {  	s12 =	smov.u32 s10  }
0xb7: {  	p0 =	sne.s32 s10, $0x9A00;
	s10 =	sadd.s32 $0xE00, s10;
	_ =	swait.ge [sflag:s6], $0xE000  }
0xb8: {  	[sflag:s6] =	ssyncset.done $0x0  }
0xb9: {  	[sflag:s6] =	ssyncadd.s32 $0xFFFF2000  }
0xba: {  	_ =	swait.ge [sflag:s26], $0x1C0  }
0xbb: {  	[sflag:s26] =	ssyncset.done $0x0  }
0xbc: {  	s12 =	sadd.s32 s12, s17;
	[sflag:s26] =	ssyncadd.s32 $0xFFFFFE40  }
0xbd: {  	[tilespmem:s29], [sflag:$0x3] =	stream.indirect.gather [hbm4b:s1+s28], $0x80, s3, s28, $0xb8;
	[tilespmem:$0x1C400] =	vst v63  }
0xbe: {  	s13 =	sadd.s32 $0x1500, s12  }
0xbf: {  	[tilespmem:s30], [sflag:$0x2] =	stream.linear.gather [hbm4b:s13+s3], $0x1C0, $0x38;
	[tilespmem:$0x1C400] =	vst v63  }
0xc0: {  	_ =	swait.ge [sflag:s31], $0xE000  }
0xc1: {  	[sflag:s31] =	ssyncset.done $0x0  }
0xc2: {  	[sflag:s31] =	ssyncadd.s32 $0xFFFF2000  }
0xc3: {  	[hbm4b:s11+s3] =	stream.linear.scatter [tilespmem:s29], [sflag:$0x5], $0xE000, $0x38;
	[tilespmem:$0x1C400] =	vst v63  }
0xc4: {  	_ =	swait.ge [sflag:s7], $0xE000  }
0xc5: {  	[sflag:s7] =	ssyncset.done $0x0  }
0xc6: {  	[sflag:s7] =	ssyncadd.s32 $0xFFFF2000  }
0xc7: {  	_ =	swait.ge [sflag:s0], $0x1C0  }
0xc8: {  	[sflag:s0] =	ssyncset.done $0x0  }
0xc9: {  	[sflag:s0] =	ssyncadd.s32 $0xFFFFFE40  }
0xca: {  	[tilespmem:s2], [sflag:$0x4] =	stream.indirect.gather [hbm4b:s1+s28], $0x80, s30, s28, $0xb8;
	[tilespmem:$0x1C400] =	vst v63  }
.Ltmp1:
0xcb: {  	s12 =	sadd.s32 $0x1C00, s12;
	(pc) =	sbr.rel @p0 .LBB2_4-.Ltmp1, $4  }
0xcc: {  	[tilespmem:s3], [sflag:$0x1] =	stream.linear.gather [hbm4b:s12+s3], $0x1C0, $0x38;
	[tilespmem:$0x1C400] =	vst v63  }
0xcd: {  	_ =	swait.ge [sflag:s5], $0xE000  }
0xce: {  	[sflag:s5] =	ssyncset.done $0x0  }
0xcf: {  	s12 =	sadd.s32 $0x38000, s11;
	s11 =	sadd.s32 $0x70000, s11;
	[sflag:s5] =	ssyncadd.s32 $0xFFFF2000  }
0xd0: {  	[hbm4b:s12+s3] =	stream.linear.scatter [tilespmem:s2], [sflag:$0x6], $0xE000, $0x38;
	[tilespmem:$0x1C400] =	vst v63  }
0xd1: {  	_ =	swait.ge [sflag:s6], $0xE000  }
0xd2: {  	[sflag:s6] =	ssyncset.done $0x0  }
0xd3: {  	[sflag:s6] =	ssyncadd.s32 $0xFFFF2000  }
0xd4: {  	_ =	swait.ge [sflag:s26], $0x1C0  }
0xd5: {  	[sflag:s26] =	ssyncset.done $0x0  }
0xd6: {  	[sflag:s26] =	ssyncadd.s32 $0xFFFFFE40  }
0xd7: {  	[tilespmem:s29], [sflag:$0x3] =	stream.indirect.gather [hbm4b:s1+s28], $0x80, s3, s28, $0xb8;
	[tilespmem:$0x1C400] =	vst v63  }
0xd8: {  	_ = 	snop  }
0xd9: {  	[tilespmem:s30], [sflag:$0x2] =	stream.linear.gather [hbm4b:s14+s3], $0x1C0, $0x38;
	[tilespmem:$0x1C400] =	vst v63  }
0xda: {  	_ =	swait.ge [sflag:s31], $0xE000  }
0xdb: {  	[sflag:s31] =	ssyncset.done $0x0  }
0xdc: {  	[sflag:s31] =	ssyncadd.s32 $0xFFFF2000  }
0xdd: {  	[hbm4b:s23+s3] =	stream.linear.scatter [tilespmem:s29], [sflag:$0x5], $0xE000, $0x38;
	[tilespmem:$0x1C400] =	vst v63  }
0xde: {  	_ =	swait.ge [sflag:s7], $0xE000  }
0xdf: {  	[sflag:s7] =	ssyncset.done $0x0  }
0xe0: {  	[sflag:s7] =	ssyncadd.s32 $0xFFFF2000  }
0xe1: {  	_ =	swait.ge [sflag:s0], $0x1C0  }
0xe2: {  	[sflag:s0] =	ssyncset.done $0x0  }
0xe3: {  	[sflag:s0] =	ssyncadd.s32 $0xFFFFFE40  }
0xe4: {  	[tilespmem:s2], [sflag:$0x4] =	stream.indirect.gather [hbm4b:s1+s28], $0x80, s30, s28, $0xb8;
	[tilespmem:$0x1C400] =	vst v63  }
0xe5: {  	_ =	swait.ge [sflag:s5], $0xE000  }
0xe6: {  	[sflag:s5] =	ssyncset.done $0x0  }
0xe7: {  	[sflag:s5] =	ssyncadd.s32 $0xFFFF2000  }
0xe8: {  	[hbm4b:s21+s3] =	stream.linear.scatter [tilespmem:s2], [sflag:$0x6], $0xE000, $0x38;
	[tilespmem:$0x1C400] =	vst v63  }
0xe9: {  	_ =	swait.ge [sflag:s6], $0xE000  }
0xea: {  	[sflag:s6] =	ssyncset.done $0x0  }
0xeb: {  	[sflag:s6] =	ssyncadd.s32 $0xFFFF2000  }
0xec: {  	_ =	swait.ge [sflag:s7], $0xE000  }
0xed: {  	s8 =	sadd.s32 $0x1, s8;
	s10 =	rddreg [dreg:$0x6]  }
0xee: {  	p0 =	sne.s32 s8, s10  }
.Ltmp2:
0xef: {  	_ = 	snop;
	(pc) =	sbr.rel @p0 .LBB2_1-.Ltmp2, $3  }
0xf0: {  	_ =	sdelay $0x1  }
0xf1: {  	[sflag:s7] =	ssyncset.done $0x0  }
0xf2: {  	[sflag:s7] =	ssyncadd.s32 $0xFFFF2000  }
0xf3: {  	_ =	sfence.sel $0x180000  }
0xf4: {  	[bflag:$0x0] =	sbarrier.arrive $0xFFFF  }
0xf5: {  	_ =	strace $0x90000047  }
0xf6: {  	s0 =	stileid.u32;
	[bflag:$0x2] =	sbarrier.arrive $0xFFFF  }
0xf7: {  	p0 =	sne.s32 s0, $0x0;
	s0 =	rddreg [dreg:$0x3]  }
0xf8: {  	s0 =	sadd.s32 @!p0 $0x100000, s0  }
0xf9: {  	[sflag:s0] =	ssyncadd.tile.s32 @!p0 $0x1;
	_ =	shalt  }
.Lfunc_end2:
_tile_overlayer_lowered:
.L_overlay_start_2:
0xfa: {  	(tag) =	ssettag $0x2  }
0xfb: {  	s0 =	rddreg [dreg:$0x0];
	s2 =	stileid.u32  }
0xfc: {  	s1 =	rddreg [dreg:$0x1];
	p0 =	sne.s32 s2, $0x0  }
0xfd: {  	s3 =	rddreg [dreg:$0x2];
	[bflag:$0x3] =	sbarrier.arrive $0xFFFF;
	s2 =	simm.s32 @!p0 $0x1C07  }
0xfe: {  	[timem:s3], [sflag:s2] =	dma.local @!p0 [hbm:s0], s1  }
0xff: {  	s0 =	simm.s32 @!p0 $0x7  }
0x100: {  	_ =	swait.ge @!p0 [sflag:s0], s1  }
0x101: {  	s1 =	ssub.s32 @!p0 $0x0, s1;
	[sflag:s0] =	ssyncset.done @!p0 $0x0  }
0x102: {  	[sflag:s0] =	ssyncadd.s32 @!p0 s1  }
0x103: {  	[bflag:$0x3] =	sbarrier.arrive $0xFFFF  }
0x104: {  	_ =	shalt  }

</sc_bundles>
